<compile_context>
chip_gen: v7x
topology: tpu7x:2x2x1
jax: 0.10.2.dev20260603
libtpu: 0.0.44.dev20260713+nightly
codegen_flags: <defaults>
</compile_context>

<pallas_src>
import functools

import jax
import jax.numpy as jnp
from jax import lax
from jax.experimental import pallas as pl
from jax.experimental.pallas import tpu as pltpu
from jax.experimental.pallas import tpu_sc as plsc

N = 1024
K = 102
NB = 1024
NW = 32
RPW = N // NW
LANES = 16
NPOS = NB // LANES


def _prep_kernel(emb_ref, u_ref, inv_ref, pos_ref):
    e = emb_ref[...]
    eb = e.astype(jnp.bfloat16)
    g = lax.dot_general(
        eb, eb, (((1,), (1,)), ((), ())), preferred_element_type=jnp.float32
    )
    rows = lax.broadcasted_iota(jnp.int32, (N, N), 0)
    cols = lax.broadcasted_iota(jnp.int32, (N, N), 1)
    diag = jnp.sum(jnp.where(rows == cols, g, 0.0), axis=1, keepdims=True)
    inv = 1.0 / jnp.maximum(jnp.sqrt(diag), 1e-12)
    u = g * inv.reshape(1, N)
    shift = jnp.where(rows < N // 2, rows + N // 2, rows - N // 2)
    pos = inv * jnp.sum(jnp.where(cols == shift, u, 0.0), axis=1, keepdims=True)
    u_ref[...] = u
    inv_ref[...] = inv
    pos_ref[...] = pos


def _sc_body(u_hbm, inv_hbm, dpart_hbm, ublk, invb, cnt, emid, dacc, sem):
    cid = lax.axis_index("c")
    sid = lax.axis_index("s")
    wid = sid * 2 + cid
    base = wid * RPW
    ucopy = pltpu.make_async_copy(u_hbm.at[pl.ds(base, RPW)], ublk, sem)
    ucopy.start()
    pltpu.sync_copy(inv_hbm.at[pl.ds(base, RPW)], invb)

    lane_f = lax.iota(jnp.int32, LANES).astype(jnp.float32)
    ones = jnp.full((LANES,), 1.0, dtype=jnp.float32)
    zeros = jnp.zeros((LANES,), dtype=jnp.float32)

    def fill_emid(p, _):
        arg = lane_f * (4.0 * NPOS / NB) + (
            p.astype(jnp.float32) * (4.0 / NB) + (2.0 / NB - 2.0)
        )
        emid[p, :] = jnp.exp(arg)
        return 0

    lax.fori_loop(0, NPOS, fill_emid, 0)

    @plsc.parallel_loop(0, RPW * NPOS, unroll=16)
    def _zero(i):
        cnt[i, :] = zeros

    ucopy.wait()

    def data_row(r, _):
        inv_r = plsc.load_gather(invb, [jnp.full((LANES,), r, dtype=jnp.int32)])
        scale = inv_r * (NB / 2.0)
        fbase = r * NPOS

        @plsc.parallel_loop(0, N // LANES, unroll=8)
        def _chunk(c):
            v = ublk[r, pl.ds(c * LANES, LANES)]
            bf = v * scale + (NB / 2.0)
            b = bf.astype(jnp.int32)
            b = jnp.minimum(jnp.maximum(b, 0), NB - 1)
            fi = fbase + (b & (NPOS - 1))
            ln = b >> 6
            plsc.addupdate_scatter(cnt, [fi, ln], ones)

        return 0

    lax.fori_loop(0, RPW, data_row, 0)

    def scan_row(r, _):
        fbase = r * NPOS

        def acc_tot(c, t):
            return t + cnt[fbase + c, :]

        tot = lax.fori_loop(0, NPOS, acc_tot, zeros, unroll=8)
        pfx = plsc.cumsum(tot) - tot

        def acc_d(c2, carry):
            run, d0, d1 = carry
            c = c2 * 2
            m0 = cnt[fbase + c, :]
            m1 = cnt[fbase + c + 1, :]
            cum0 = pfx + run
            run1 = run + m0
            cum1 = pfx + run1
            part0 = jnp.minimum(jnp.maximum(K - cum0, 0.0), m0)
            part1 = jnp.minimum(jnp.maximum(K - cum1, 0.0), m1)
            d0 = d0 + part0 * emid[c, :]
            d1 = d1 + part1 * emid[c + 1, :]
            return run1 + m1, d0, d1

        _, d0, d1 = lax.fori_loop(
            0, NPOS // 2, acc_d, (zeros, zeros, zeros), unroll=4
        )
        dacc[r, :] = d0 + d1
        return 0

    lax.fori_loop(0, RPW, scan_row, 0)
    pltpu.sync_copy(dacc, dpart_hbm.at[pl.ds(base, RPW)])


_sc_select = functools.partial(
    pl.kernel,
    out_type=jax.ShapeDtypeStruct((N, LANES), jnp.float32),
    mesh=plsc.VectorSubcoreMesh(core_axis_name="c", subcore_axis_name="s"),
    compiler_params=pltpu.CompilerParams(needs_layout_passes=False, use_tc_tiling_on_sc=False),
    scratch_types=[
        pltpu.VMEM((RPW, N), jnp.float32),
        pltpu.VMEM((RPW,), jnp.float32),
        pltpu.VMEM((RPW * NPOS, LANES), jnp.float32),
        pltpu.VMEM((NPOS, LANES), jnp.float32),
        pltpu.VMEM((RPW, LANES), jnp.float32),
        pltpu.SemaphoreType.DMA,
    ],
)(_sc_body)


def _final_kernel(dpart_ref, pos_ref, out_ref):
    d = jnp.sum(dpart_ref[...], axis=1, keepdims=True)
    loss = jnp.sum(jnp.log(d) - 2.0 * pos_ref[...]) * (1.0 / N)
    out_ref[...] = jnp.full((1, 1), loss, dtype=jnp.float32)


@jax.jit
def kernel(emb_cat):
    u, inv, pos = pl.pallas_call(
        _prep_kernel,
        out_shape=[
            jax.ShapeDtypeStruct((N, N), jnp.float32),
            jax.ShapeDtypeStruct((N, 1), jnp.float32),
            jax.ShapeDtypeStruct((N, 1), jnp.float32),
        ],
    )(emb_cat)
    dpart = _sc_select(u, inv.reshape(N))
    out = pl.pallas_call(
        _final_kernel,
        out_shape=jax.ShapeDtypeStruct((1, 1), jnp.float32),
    )(dpart, pos)
    return out[0, 0]

# --- scband reference (transcript-rebuilt; emitter-appended) ---
"""Pipeline reference for scband-ntxent-merged-top-ten-neg-28097676050920 (READ-ONLY COPY).

The authoritative reference and input builder live on the scoring server;
editing this copy changes nothing except your own understanding.
"""

import jax, jax.numpy as jnp
import numpy as np


def setup_inputs(seed: int = 0) -> dict:
    key = jax.random.key(seed)
    emb_cat = jax.random.normal(key, (1024, 1024), dtype=jnp.float32)
    return {"emb_cat": emb_cat}


def reference(emb_cat):
    temperature = 0.5
    n = emb_cat.shape[0]
    batch_size = n // 2
    # F.normalize(emb_cat, dim=1)
    norm = jnp.linalg.norm(emb_cat, axis=1, keepdims=True)
    z_cat = emb_cat / jnp.maximum(norm, 1e-12)
    # representations = cat([z_i, z_j]) == z_cat
    representations = z_cat
    # cosine_similarity(rep.unsqueeze(1), rep.unsqueeze(0), dim=2)
    # == renormalize rows then inner product (rows already unit norm)
    rnorm = jnp.linalg.norm(representations, axis=1, keepdims=True)
    r = representations / jnp.maximum(rnorm, 1e-8)
    similarity_matrix = r @ r.T
    negatives_mask = 1.0 - jnp.eye(n, dtype=jnp.float32)
    sorted_indices = jnp.argsort(similarity_matrix, axis=1)
    top_10_percent = int(n * 0.1)
    top_negatives = sorted_indices[:, :top_10_percent]
    row_ids = jnp.arange(n)[:, None]
    filtered_mask = jnp.zeros((n, n), dtype=jnp.float32).at[row_ids, top_negatives].set(1.0)
    final_negatives_mask = negatives_mask * filtered_mask
    sim_ij = jnp.diagonal(similarity_matrix, offset=batch_size)
    sim_ji = jnp.diagonal(similarity_matrix, offset=-batch_size)
    positives = jnp.concatenate([sim_ij, sim_ji], axis=0)
    nominator = jnp.exp(positives / temperature)
    denominator = final_negatives_mask * jnp.exp(similarity_matrix / temperature)
    loss_partial = -jnp.log(nominator / jnp.sum(denominator, axis=1))
    loss = jnp.sum(loss_partial) / (2 * batch_size)
    return loss

if __name__ == "__main__":
    import jax
    _d = setup_inputs()
    print(jax.jit(kernel)(*tuple(_d.values())))

</pallas_src>

<mosaic_0001>
#map = affine_map<(d0, d1) -> (0, 0)>
#map1 = affine_map<(d0, d1) -> (0)>
module attributes {stable_mosaic.version = 14 : i64} {
  func.func @_sc_body(%arg0: i32, %arg1: i32, %arg2: memref<1024x1024xf32, #tpu.memory_space<hbm>>, %arg3: memref<1024xf32, #tpu.memory_space<hbm>>, %arg4: memref<1024x16xf32, #tpu.memory_space<hbm>>, %arg5: memref<32x1024xf32, #tpu.memory_space<vmem>>, %arg6: memref<32xf32, #tpu.memory_space<vmem>>, %arg7: memref<2048x16xf32, #tpu.memory_space<vmem>>, %arg8: memref<64x16xf32, #tpu.memory_space<vmem>>, %arg9: memref<32x16xf32, #tpu.memory_space<vmem>>, %arg10: memref<!tpu.dma_semaphore, #tpu.memory_space<semaphore_mem>>) attributes {dimension_semantics = [#tpu.dimension_semantics<core_parallel>, #tpu.dimension_semantics<subcore_parallel>], iteration_bounds = array<i64: 2, 16>, scalar_prefetch = 0 : i64, scratch_operands = 6 : i64, tpu.core_type = #tpu.core_type<sc_vector_subcore>, window_params = [{transform_indices = #map}, {transform_indices = #map1}, {transform_indices = #map}]} {
    %mul3A = arith.constant 2 : i32
    %mul3A_0 = arith.muli %arg1, %mul3A : i32
    %add3A = arith.addi %mul3A_0, %arg0 : i32
    %mul3A_1 = arith.constant 32 : i32
    %mul3A_2 = arith.muli %add3A, %mul3A_1 : i32
    %dma_start3A = arith.constant 0 : i32
    %dma_start3A_3 = tpu.memref_slice %arg2[%mul3A_2, %dma_start3A] : memref<1024x1024xf32, #tpu.memory_space<hbm>> -> memref<32x1024xf32, #tpu.memory_space<hbm>>
    %dma_start3A_4 = arith.constant 0 : i32
    %dma_start3A_5 = tpu.memref_slice %arg2[%mul3A_2, %dma_start3A_4] : memref<1024x1024xf32, #tpu.memory_space<hbm>> -> memref<32x1024xf32, #tpu.memory_space<hbm>>
    tpu.enqueue_dma source(%dma_start3A_5 : memref<32x1024xf32, #tpu.memory_space<hbm>>) target(%arg5 : memref<32x1024xf32, #tpu.memory_space<vmem>>) target_semaphore(%arg10 : memref<!tpu.dma_semaphore, #tpu.memory_space<semaphore_mem>>)
    "tpu.region"() ({
      %run_scoped3A = tpu.sem_alloc : memref<!tpu.dma_semaphore, #tpu.memory_space<semaphore_mem>>
      %dma_start3A_34 = tpu.memref_slice %arg3[%mul3A_2] : memref<1024xf32, #tpu.memory_space<hbm>> -> memref<32xf32, #tpu.memory_space<hbm>>
      %dma_start3A_35 = tpu.memref_slice %arg3[%mul3A_2] : memref<1024xf32, #tpu.memory_space<hbm>> -> memref<32xf32, #tpu.memory_space<hbm>>
      tpu.enqueue_dma source(%dma_start3A_35 : memref<32xf32, #tpu.memory_space<hbm>>) target(%arg6 : memref<32xf32, #tpu.memory_space<vmem>>) target_semaphore(%run_scoped3A : memref<!tpu.dma_semaphore, #tpu.memory_space<semaphore_mem>>)
      %dma_wait3A_36 = tpu.memref_slice %arg3[%mul3A_2] : memref<1024xf32, #tpu.memory_space<hbm>> -> memref<32xf32, #tpu.memory_space<hbm>>
      %dma_wait3A_37 = tpu.memref_slice %arg3[%mul3A_2] : memref<1024xf32, #tpu.memory_space<hbm>> -> memref<32xf32, #tpu.memory_space<hbm>>
      tpu.wait_dma2 semaphore(%run_scoped3A : memref<!tpu.dma_semaphore, #tpu.memory_space<semaphore_mem>>) src(%dma_wait3A_37 : memref<32xf32, #tpu.memory_space<hbm>>) dst(%arg6 : memref<32xf32, #tpu.memory_space<vmem>>)
      tpu.yield
    }) : () -> ()
    %iota3A = tpu.iota {dimensions = array<i32: 0>} : vector<16xi32>
    %convert_element_type3A = arith.sitofp %iota3A : vector<16xi32> to vector<16xf32>
    %broadcast_in_dim3A = arith.constant 1.000000e+00 : f32
    %broadcast_in_dim3A_6 = vector.broadcast %broadcast_in_dim3A : f32 to vector<16xf32>
    %broadcast_in_dim3A_7 = arith.constant 0.000000e+00 : f32
    %broadcast_in_dim3A_8 = vector.broadcast %broadcast_in_dim3A_7 : f32 to vector<16xf32>
    %scan3A = arith.constant 0 : i32
    %scan3A_9 = arith.constant 0 : i32
    %scan3A_10 = arith.constant 64 : i32
    %scan3A_11 = arith.addi %scan3A_9, %scan3A_10 : i32
    %scan3A_12 = arith.constant 1 : i32
    %scan3A_13 = scf.for %scan3A_34 = %scan3A_9 to %scan3A_11 step %scan3A_12 iter_args(%scan3A_35 = %scan3A) -> (i32)  : i32 {
      %mul3A_36 = arith.constant 2.500000e-01 : f32
      %mul3A_37 = vector.broadcast %mul3A_36 : f32 to vector<16xf32>
      %mul3A_38 = arith.mulf %convert_element_type3A, %mul3A_37 : vector<16xf32>
      %convert_element_type3A_39 = arith.sitofp %scan3A_34 : i32 to f32
      %mul3A_40 = arith.constant 3.906250e-03 : f32
      %mul3A_41 = arith.mulf %convert_element_type3A_39, %mul3A_40 : f32
      %add3A_42 = arith.constant -1.99804688 : f32
      %add3A_43 = arith.addf %mul3A_41, %add3A_42 : f32
      %add3A_44 = vector.broadcast %add3A_43 : f32 to vector<16xf32>
      %add3A_45 = arith.addf %mul3A_38, %add3A_44 : vector<16xf32>
      %exp3A = math.exp %add3A_45 : vector<16xf32>
      %swap3A = arith.index_cast %scan3A_34 : i32 to index
      %swap3A_46 = arith.constant 0 : index
      %swap3A_47 = tpu.vector_load %arg8[%swap3A, %swap3A_46] {strides = array<i32>} : memref<64x16xf32, #tpu.memory_space<vmem>>, vector<16xf32>,
      tpu.vector_store %arg8[%swap3A, %swap3A_46], %exp3A {strides = array<i32>} : memref<64x16xf32, #tpu.memory_space<vmem>>, vector<16xf32>,
      %scan3A_48 = arith.constant 0 : i32
      scf.yield %scan3A_48 : i32
    }
    %scan3A_14 = arith.constant 64 : i32
    %parallel_loop3A = arith.constant 0 : i32
    %parallel_loop3A_15 = arith.constant 2048 : i32
    %parallel_loop3A_16 = arith.constant 1 : i32
    scf.for %parallel_loop3A_34 = %parallel_loop3A to %parallel_loop3A_15 step %parallel_loop3A_16  : i32 {
      %parallel_loop3A_35 = arith.index_cast %parallel_loop3A_34 : i32 to index
      %parallel_loop3A_36 = arith.constant 0 : index
      %parallel_loop3A_37 = tpu.vector_load %arg7[%parallel_loop3A_35, %parallel_loop3A_36] {strides = array<i32>} : memref<2048x16xf32, #tpu.memory_space<vmem>>, vector<16xf32>,
      tpu.vector_store %arg7[%parallel_loop3A_35, %parallel_loop3A_36], %broadcast_in_dim3A_8 {strides = array<i32>} : memref<2048x16xf32, #tpu.memory_space<vmem>>, vector<16xf32>,
    } {sc.loop_unroll_factor = 16 : i64, sc.parallel_access}
    %dma_wait3A = arith.constant 0 : i32
    %dma_wait3A_17 = tpu.memref_slice %arg2[%mul3A_2, %dma_wait3A] : memref<1024x1024xf32, #tpu.memory_space<hbm>> -> memref<32x1024xf32, #tpu.memory_space<hbm>>
    %dma_wait3A_18 = arith.constant 0 : i32
    %dma_wait3A_19 = tpu.memref_slice %arg2[%mul3A_2, %dma_wait3A_18] : memref<1024x1024xf32, #tpu.memory_space<hbm>> -> memref<32x1024xf32, #tpu.memory_space<hbm>>
    tpu.wait_dma2 semaphore(%arg10 : memref<!tpu.dma_semaphore, #tpu.memory_space<semaphore_mem>>) src(%dma_wait3A_19 : memref<32x1024xf32, #tpu.memory_space<hbm>>) dst(%arg5 : memref<32x1024xf32, #tpu.memory_space<vmem>>)
    %scan3A_20 = arith.constant 0 : i32
    %scan3A_21 = arith.constant 0 : i32
    %scan3A_22 = arith.constant 32 : i32
    %scan3A_23 = arith.addi %scan3A_21, %scan3A_22 : i32
    %scan3A_24 = arith.constant 1 : i32
    %scan3A_25 = scf.for %scan3A_34 = %scan3A_21 to %scan3A_23 step %scan3A_24 iter_args(%scan3A_35 = %scan3A_20) -> (i32)  : i32 {
      %broadcast_in_dim3A_36 = vector.broadcast %scan3A_34 : i32 to vector<16xi32>
      %gather3A = tpu.vector_load_idx %arg6[%broadcast_in_dim3A_36] : memref<32xf32, #tpu.memory_space<vmem>>[vector<16xi32>], vector<16xf32>,
      %mul3A_37 = arith.constant 5.120000e+02 : f32
      %mul3A_38 = vector.broadcast %mul3A_37 : f32 to vector<16xf32>
      %mul3A_39 = arith.mulf %gather3A, %mul3A_38 : vector<16xf32>
      %mul3A_40 = arith.constant 64 : i32
      %mul3A_41 = arith.muli %scan3A_34, %mul3A_40 : i32
      %parallel_loop3A_42 = arith.constant 0 : i32
      %parallel_loop3A_43 = arith.constant 64 : i32
      %parallel_loop3A_44 = arith.constant 1 : i32
      scf.for %parallel_loop3A_46 = %parallel_loop3A_42 to %parallel_loop3A_43 step %parallel_loop3A_44  : i32 {
        %parallel_loop3A_47 = arith.constant 16 : i32
        %parallel_loop3A_48 = arith.muli %parallel_loop3A_46, %parallel_loop3A_47 : i32
        %parallel_loop3A_49 = arith.index_cast %scan3A_34 : i32 to index
        %parallel_loop3A_50 = arith.index_cast %parallel_loop3A_48 : i32 to index
        %parallel_loop3A_51 = tpu.vector_load %arg5[%parallel_loop3A_49, %parallel_loop3A_50] {strides = array<i32>} : memref<32x1024xf32, #tpu.memory_space<vmem>>, vector<16xf32>,
        %parallel_loop3A_52 = arith.mulf %parallel_loop3A_51, %mul3A_39 : vector<16xf32>
        %parallel_loop3A_53 = arith.constant 5.120000e+02 : f32
        %parallel_loop3A_54 = vector.broadcast %parallel_loop3A_53 : f32 to vector<16xf32>
        %parallel_loop3A_55 = arith.addf %parallel_loop3A_52, %parallel_loop3A_54 : vector<16xf32>
        %parallel_loop3A_56 = arith.fptosi %parallel_loop3A_55 : vector<16xf32> to vector<16xi32>
        %parallel_loop3A_57 = arith.constant 0 : i32
        %parallel_loop3A_58 = vector.broadcast %parallel_loop3A_57 : i32 to vector<16xi32>
        %parallel_loop3A_59 = arith.maxsi %parallel_loop3A_56, %parallel_loop3A_58 : vector<16xi32>
        %parallel_loop3A_60 = arith.constant 1023 : i32
        %parallel_loop3A_61 = vector.broadcast %parallel_loop3A_60 : i32 to vector<16xi32>
        %parallel_loop3A_62 = arith.minsi %parallel_loop3A_59, %parallel_loop3A_61 : vector<16xi32>
        %parallel_loop3A_63 = arith.constant 63 : i32
        %parallel_loop3A_64 = vector.broadcast %parallel_loop3A_63 : i32 to vector<16xi32>
        %parallel_loop3A_65 = arith.andi %parallel_loop3A_62, %parallel_loop3A_64 : vector<16xi32>
        %parallel_loop3A_66 = vector.broadcast %mul3A_41 : i32 to vector<16xi32>
        %parallel_loop3A_67 = arith.addi %parallel_loop3A_66, %parallel_loop3A_65 : vector<16xi32>
        %parallel_loop3A_68 = arith.constant 6 : i32
        %parallel_loop3A_69 = vector.broadcast %parallel_loop3A_68 : i32 to vector<16xi32>
        %parallel_loop3A_70 = arith.shrsi %parallel_loop3A_62, %parallel_loop3A_69 : vector<16xi32>
        tpu.vector_store_idx %arg7[%parallel_loop3A_67, %parallel_loop3A_70], %broadcast_in_dim3A_6 {add = true} : memref<2048x16xf32, #tpu.memory_space<vmem>>[vector<16xi32>, vector<16xi32>], vector<16xf32>,
      } {sc.loop_unroll_factor = 8 : i64, sc.parallel_access}
      %scan3A_45 = arith.constant 0 : i32
      scf.yield %scan3A_45 : i32
    }
    %scan3A_26 = arith.constant 32 : i32
    %scan3A_27 = arith.constant 0 : i32
    %scan3A_28 = arith.constant 0 : i32
    %scan3A_29 = arith.constant 32 : i32
    %scan3A_30 = arith.addi %scan3A_28, %scan3A_29 : i32
    %scan3A_31 = arith.constant 1 : i32
    %scan3A_32 = scf.for %scan3A_34 = %scan3A_28 to %scan3A_30 step %scan3A_31 iter_args(%scan3A_35 = %scan3A_27) -> (i32)  : i32 {
      %mul3A_36 = arith.constant 64 : i32
      %mul3A_37 = arith.muli %scan3A_34, %mul3A_36 : i32
      %scan3A_38 = arith.constant 0 : i32
      %scan3A_39 = arith.constant 64 : i32
      %scan3A_40 = arith.addi %scan3A_38, %scan3A_39 : i32
      %scan3A_41 = arith.constant 8 : i32
      %scan3A_42 = scf.for %scan3A_56 = %scan3A_38 to %scan3A_40 step %scan3A_41 iter_args(%scan3A_57 = %broadcast_in_dim3A_8) -> (vector<16xf32>)  : i32 {
        %add3A_58 = arith.addi %mul3A_37, %scan3A_56 : i32
        %get3A = arith.index_cast %add3A_58 : i32 to index
        %get3A_59 = arith.constant 0 : index
        %get3A_60 = tpu.vector_load %arg7[%get3A, %get3A_59] {strides = array<i32>} : memref<2048x16xf32, #tpu.memory_space<vmem>>, vector<16xf32>,
        %add3A_61 = arith.addf %scan3A_57, %get3A_60 : vector<16xf32>
        %scan3A_62 = arith.constant 1 : i32
        %scan3A_63 = arith.addi %scan3A_56, %scan3A_62 : i32
        %add3A_64 = arith.addi %mul3A_37, %scan3A_63 : i32
        %get3A_65 = arith.index_cast %add3A_64 : i32 to index
        %get3A_66 = arith.constant 0 : index
        %get3A_67 = tpu.vector_load %arg7[%get3A_65, %get3A_66] {strides = array<i32>} : memref<2048x16xf32, #tpu.memory_space<vmem>>, vector<16xf32>,
        %add3A_68 = arith.addf %add3A_61, %get3A_67 : vector<16xf32>
        %scan3A_69 = arith.constant 2 : i32
        %scan3A_70 = arith.addi %scan3A_56, %scan3A_69 : i32
        %add3A_71 = arith.addi %mul3A_37, %scan3A_70 : i32
        %get3A_72 = arith.index_cast %add3A_71 : i32 to index
        %get3A_73 = arith.constant 0 : index
        %get3A_74 = tpu.vector_load %arg7[%get3A_72, %get3A_73] {strides = array<i32>} : memref<2048x16xf32, #tpu.memory_space<vmem>>, vector<16xf32>,
        %add3A_75 = arith.addf %add3A_68, %get3A_74 : vector<16xf32>
        %scan3A_76 = arith.constant 3 : i32
        %scan3A_77 = arith.addi %scan3A_56, %scan3A_76 : i32
        %add3A_78 = arith.addi %mul3A_37, %scan3A_77 : i32
        %get3A_79 = arith.index_cast %add3A_78 : i32 to index
        %get3A_80 = arith.constant 0 : index
        %get3A_81 = tpu.vector_load %arg7[%get3A_79, %get3A_80] {strides = array<i32>} : memref<2048x16xf32, #tpu.memory_space<vmem>>, vector<16xf32>,
        %add3A_82 = arith.addf %add3A_75, %get3A_81 : vector<16xf32>
        %scan3A_83 = arith.constant 4 : i32
        %scan3A_84 = arith.addi %scan3A_56, %scan3A_83 : i32
        %add3A_85 = arith.addi %mul3A_37, %scan3A_84 : i32
        %get3A_86 = arith.index_cast %add3A_85 : i32 to index
        %get3A_87 = arith.constant 0 : index
        %get3A_88 = tpu.vector_load %arg7[%get3A_86, %get3A_87] {strides = array<i32>} : memref<2048x16xf32, #tpu.memory_space<vmem>>, vector<16xf32>,
        %add3A_89 = arith.addf %add3A_82, %get3A_88 : vector<16xf32>
        %scan3A_90 = arith.constant 5 : i32
        %scan3A_91 = arith.addi %scan3A_56, %scan3A_90 : i32
        %add3A_92 = arith.addi %mul3A_37, %scan3A_91 : i32
        %get3A_93 = arith.index_cast %add3A_92 : i32 to index
        %get3A_94 = arith.constant 0 : index
        %get3A_95 = tpu.vector_load %arg7[%get3A_93, %get3A_94] {strides = array<i32>} : memref<2048x16xf32, #tpu.memory_space<vmem>>, vector<16xf32>,
        %add3A_96 = arith.addf %add3A_89, %get3A_95 : vector<16xf32>
        %scan3A_97 = arith.constant 6 : i32
        %scan3A_98 = arith.addi %scan3A_56, %scan3A_97 : i32
        %add3A_99 = arith.addi %mul3A_37, %scan3A_98 : i32
        %get3A_100 = arith.index_cast %add3A_99 : i32 to index
        %get3A_101 = arith.constant 0 : index
        %get3A_102 = tpu.vector_load %arg7[%get3A_100, %get3A_101] {strides = array<i32>} : memref<2048x16xf32, #tpu.memory_space<vmem>>, vector<16xf32>,
        %add3A_103 = arith.addf %add3A_96, %get3A_102 : vector<16xf32>
        %scan3A_104 = arith.constant 7 : i32
        %scan3A_105 = arith.addi %scan3A_56, %scan3A_104 : i32
        %add3A_106 = arith.addi %mul3A_37, %scan3A_105 : i32
        %get3A_107 = arith.index_cast %add3A_106 : i32 to index
        %get3A_108 = arith.constant 0 : index
        %get3A_109 = tpu.vector_load %arg7[%get3A_107, %get3A_108] {strides = array<i32>} : memref<2048x16xf32, #tpu.memory_space<vmem>>, vector<16xf32>,
        %add3A_110 = arith.addf %add3A_103, %get3A_109 : vector<16xf32>
        scf.yield %add3A_110 : vector<16xf32>
      }
      %scan3A_43 = arith.constant 64 : i32
      %broadcast_in_dim3A_44 = arith.constant true
      %broadcast_in_dim3A_45 = vector.broadcast %broadcast_in_dim3A_44 : i1 to vector<16xi1>
      %masked_cumsum3A = tpu.scan <sum>, %scan3A_42 masked %broadcast_in_dim3A_45 : vector<16xf32>, vector<16xi1> -> vector<16xf32>
      %sub3A = arith.subf %masked_cumsum3A, %scan3A_42 : vector<16xf32>
      %scan3A_46 = arith.constant 0 : i32
      %scan3A_47 = arith.constant 32 : i32
      %scan3A_48 = arith.addi %scan3A_46, %scan3A_47 : i32
      %scan3A_49 = arith.constant 4 : i32
      %scan3A_50:3 = scf.for %scan3A_56 = %scan3A_46 to %scan3A_48 step %scan3A_49 iter_args(%scan3A_57 = %broadcast_in_dim3A_8, %scan3A_58 = %broadcast_in_dim3A_8, %scan3A_59 = %broadcast_in_dim3A_8) -> (vector<16xf32>, vector<16xf32>, vector<16xf32>)  : i32 {
        %mul3A_60 = arith.constant 2 : i32
        %mul3A_61 = arith.muli %scan3A_56, %mul3A_60 : i32
        %add3A_62 = arith.addi %mul3A_37, %mul3A_61 : i32
        %get3A = arith.index_cast %add3A_62 : i32 to index
        %get3A_63 = arith.constant 0 : index
        %get3A_64 = tpu.vector_load %arg7[%get3A, %get3A_63] {strides = array<i32>} : memref<2048x16xf32, #tpu.memory_space<vmem>>, vector<16xf32>,
        %add3A_65 = arith.addi %mul3A_37, %mul3A_61 : i32
        %add3A_66 = arith.constant 1 : i32
        %add3A_67 = arith.addi %add3A_65, %add3A_66 : i32
        %get3A_68 = arith.index_cast %add3A_67 : i32 to index
        %get3A_69 = arith.constant 0 : index
        %get3A_70 = tpu.vector_load %arg7[%get3A_68, %get3A_69] {strides = array<i32>} : memref<2048x16xf32, #tpu.memory_space<vmem>>, vector<16xf32>,
        %add3A_71 = arith.addf %sub3A, %scan3A_57 : vector<16xf32>
        %add3A_72 = arith.addf %scan3A_57, %get3A_64 : vector<16xf32>
        %add3A_73 = arith.addf %sub3A, %add3A_72 : vector<16xf32>
        %sub3A_74 = arith.constant 1.020000e+02 : f32
        %sub3A_75 = vector.broadcast %sub3A_74 : f32 to vector<16xf32>
        %sub3A_76 = arith.subf %sub3A_75, %add3A_71 : vector<16xf32>
        %max3A = arith.constant 0.000000e+00 : f32
        %max3A_77 = vector.broadcast %max3A : f32 to vector<16xf32>
        %max3A_78 = arith.maximumf %sub3A_76, %max3A_77 : vector<16xf32>
        %min3A = arith.minimumf %max3A_78, %get3A_64 : vector<16xf32>
        %sub3A_79 = arith.constant 1.020000e+02 : f32
        %sub3A_80 = vector.broadcast %sub3A_79 : f32 to vector<16xf32>
        %sub3A_81 = arith.subf %sub3A_80, %add3A_73 : vector<16xf32>
        %max3A_82 = arith.constant 0.000000e+00 : f32
        %max3A_83 = vector.broadcast %max3A_82 : f32 to vector<16xf32>
        %max3A_84 = arith.maximumf %sub3A_81, %max3A_83 : vector<16xf32>
        %min3A_85 = arith.minimumf %max3A_84, %get3A_70 : vector<16xf32>
        %get3A_86 = arith.index_cast %mul3A_61 : i32 to index
        %get3A_87 = arith.constant 0 : index
        %get3A_88 = tpu.vector_load %arg8[%get3A_86, %get3A_87] {strides = array<i32>} : memref<64x16xf32, #tpu.memory_space<vmem>>, vector<16xf32>,
        %mul3A_89 = arith.mulf %min3A, %get3A_88 : vector<16xf32>
        %add3A_90 = arith.addf %scan3A_58, %mul3A_89 : vector<16xf32>
        %add3A_91 = arith.constant 1 : i32
        %add3A_92 = arith.addi %mul3A_61, %add3A_91 : i32
        %get3A_93 = arith.index_cast %add3A_92 : i32 to index
        %get3A_94 = arith.constant 0 : index
        %get3A_95 = tpu.vector_load %arg8[%get3A_93, %get3A_94] {strides = array<i32>} : memref<64x16xf32, #tpu.memory_space<vmem>>, vector<16xf32>,
        %mul3A_96 = arith.mulf %min3A_85, %get3A_95 : vector<16xf32>
        %add3A_97 = arith.addf %scan3A_59, %mul3A_96 : vector<16xf32>
        %add3A_98 = arith.addf %add3A_72, %get3A_70 : vector<16xf32>
        %scan3A_99 = arith.constant 1 : i32
        %scan3A_100 = arith.addi %scan3A_56, %scan3A_99 : i32
        %mul3A_101 = arith.constant 2 : i32
        %mul3A_102 = arith.muli %scan3A_100, %mul3A_101 : i32
        %add3A_103 = arith.addi %mul3A_37, %mul3A_102 : i32
        %get3A_104 = arith.index_cast %add3A_103 : i32 to index
        %get3A_105 = arith.constant 0 : index
        %get3A_106 = tpu.vector_load %arg7[%get3A_104, %get3A_105] {strides = array<i32>} : memref<2048x16xf32, #tpu.memory_space<vmem>>, vector<16xf32>,
        %add3A_107 = arith.addi %mul3A_37, %mul3A_102 : i32
        %add3A_108 = arith.constant 1 : i32
        %add3A_109 = arith.addi %add3A_107, %add3A_108 : i32
        %get3A_110 = arith.index_cast %add3A_109 : i32 to index
        %get3A_111 = arith.constant 0 : index
        %get3A_112 = tpu.vector_load %arg7[%get3A_110, %get3A_111] {strides = array<i32>} : memref<2048x16xf32, #tpu.memory_space<vmem>>, vector<16xf32>,
        %add3A_113 = arith.addf %sub3A, %add3A_98 : vector<16xf32>
        %add3A_114 = arith.addf %add3A_98, %get3A_106 : vector<16xf32>
        %add3A_115 = arith.addf %sub3A, %add3A_114 : vector<16xf32>
        %sub3A_116 = arith.constant 1.020000e+02 : f32
        %sub3A_117 = vector.broadcast %sub3A_116 : f32 to vector<16xf32>
        %sub3A_118 = arith.subf %sub3A_117, %add3A_113 : vector<16xf32>
        %max3A_119 = arith.constant 0.000000e+00 : f32
        %max3A_120 = vector.broadcast %max3A_119 : f32 to vector<16xf32>
        %max3A_121 = arith.maximumf %sub3A_118, %max3A_120 : vector<16xf32>
        %min3A_122 = arith.minimumf %max3A_121, %get3A_106 : vector<16xf32>
        %sub3A_123 = arith.constant 1.020000e+02 : f32
        %sub3A_124 = vector.broadcast %sub3A_123 : f32 to vector<16xf32>
        %sub3A_125 = arith.subf %sub3A_124, %add3A_115 : vector<16xf32>
        %max3A_126 = arith.constant 0.000000e+00 : f32
        %max3A_127 = vector.broadcast %max3A_126 : f32 to vector<16xf32>
        %max3A_128 = arith.maximumf %sub3A_125, %max3A_127 : vector<16xf32>
        %min3A_129 = arith.minimumf %max3A_128, %get3A_112 : vector<16xf32>
        %get3A_130 = arith.index_cast %mul3A_102 : i32 to index
        %get3A_131 = arith.constant 0 : index
        %get3A_132 = tpu.vector_load %arg8[%get3A_130, %get3A_131] {strides = array<i32>} : memref<64x16xf32, #tpu.memory_space<vmem>>, vector<16xf32>,
        %mul3A_133 = arith.mulf %min3A_122, %get3A_132 : vector<16xf32>
        %add3A_134 = arith.addf %add3A_90, %mul3A_133 : vector<16xf32>
        %add3A_135 = arith.constant 1 : i32
        %add3A_136 = arith.addi %mul3A_102, %add3A_135 : i32
        %get3A_137 = arith.index_cast %add3A_136 : i32 to index
        %get3A_138 = arith.constant 0 : index
        %get3A_139 = tpu.vector_load %arg8[%get3A_137, %get3A_138] {strides = array<i32>} : memref<64x16xf32, #tpu.memory_space<vmem>>, vector<16xf32>,
        %mul3A_140 = arith.mulf %min3A_129, %get3A_139 : vector<16xf32>
        %add3A_141 = arith.addf %add3A_97, %mul3A_140 : vector<16xf32>
        %add3A_142 = arith.addf %add3A_114, %get3A_112 : vector<16xf32>
        %scan3A_143 = arith.constant 2 : i32
        %scan3A_144 = arith.addi %scan3A_56, %scan3A_143 : i32
        %mul3A_145 = arith.constant 2 : i32
        %mul3A_146 = arith.muli %scan3A_144, %mul3A_145 : i32
        %add3A_147 = arith.addi %mul3A_37, %mul3A_146 : i32
        %get3A_148 = arith.index_cast %add3A_147 : i32 to index
        %get3A_149 = arith.constant 0 : index
        %get3A_150 = tpu.vector_load %arg7[%get3A_148, %get3A_149] {strides = array<i32>} : memref<2048x16xf32, #tpu.memory_space<vmem>>, vector<16xf32>,
        %add3A_151 = arith.addi %mul3A_37, %mul3A_146 : i32
        %add3A_152 = arith.constant 1 : i32
        %add3A_153 = arith.addi %add3A_151, %add3A_152 : i32
        %get3A_154 = arith.index_cast %add3A_153 : i32 to index
        %get3A_155 = arith.constant 0 : index
        %get3A_156 = tpu.vector_load %arg7[%get3A_154, %get3A_155] {strides = array<i32>} : memref<2048x16xf32, #tpu.memory_space<vmem>>, vector<16xf32>,
        %add3A_157 = arith.addf %sub3A, %add3A_142 : vector<16xf32>
        %add3A_158 = arith.addf %add3A_142, %get3A_150 : vector<16xf32>
        %add3A_159 = arith.addf %sub3A, %add3A_158 : vector<16xf32>
        %sub3A_160 = arith.constant 1.020000e+02 : f32
        %sub3A_161 = vector.broadcast %sub3A_160 : f32 to vector<16xf32>
        %sub3A_162 = arith.subf %sub3A_161, %add3A_157 : vector<16xf32>
        %max3A_163 = arith.constant 0.000000e+00 : f32
        %max3A_164 = vector.broadcast %max3A_163 : f32 to vector<16xf32>
        %max3A_165 = arith.maximumf %sub3A_162, %max3A_164 : vector<16xf32>
        %min3A_166 = arith.minimumf %max3A_165, %get3A_150 : vector<16xf32>
        %sub3A_167 = arith.constant 1.020000e+02 : f32
        %sub3A_168 = vector.broadcast %sub3A_167 : f32 to vector<16xf32>
        %sub3A_169 = arith.subf %sub3A_168, %add3A_159 : vector<16xf32>
        %max3A_170 = arith.constant 0.000000e+00 : f32
        %max3A_171 = vector.broadcast %max3A_170 : f32 to vector<16xf32>
        %max3A_172 = arith.maximumf %sub3A_169, %max3A_171 : vector<16xf32>
        %min3A_173 = arith.minimumf %max3A_172, %get3A_156 : vector<16xf32>
        %get3A_174 = arith.index_cast %mul3A_146 : i32 to index
        %get3A_175 = arith.constant 0 : index
        %get3A_176 = tpu.vector_load %arg8[%get3A_174, %get3A_175] {strides = array<i32>} : memref<64x16xf32, #tpu.memory_space<vmem>>, vector<16xf32>,
        %mul3A_177 = arith.mulf %min3A_166, %get3A_176 : vector<16xf32>
        %add3A_178 = arith.addf %add3A_134, %mul3A_177 : vector<16xf32>
        %add3A_179 = arith.constant 1 : i32
        %add3A_180 = arith.addi %mul3A_146, %add3A_179 : i32
        %get3A_181 = arith.index_cast %add3A_180 : i32 to index
        %get3A_182 = arith.constant 0 : index
        %get3A_183 = tpu.vector_load %arg8[%get3A_181, %get3A_182] {strides = array<i32>} : memref<64x16xf32, #tpu.memory_space<vmem>>, vector<16xf32>,
        %mul3A_184 = arith.mulf %min3A_173, %get3A_183 : vector<16xf32>
        %add3A_185 = arith.addf %add3A_141, %mul3A_184 : vector<16xf32>
        %add3A_186 = arith.addf %add3A_158, %get3A_156 : vector<16xf32>
        %scan3A_187 = arith.constant 3 : i32
        %scan3A_188 = arith.addi %scan3A_56, %scan3A_187 : i32
        %mul3A_189 = arith.constant 2 : i32
        %mul3A_190 = arith.muli %scan3A_188, %mul3A_189 : i32
        %add3A_191 = arith.addi %mul3A_37, %mul3A_190 : i32
        %get3A_192 = arith.index_cast %add3A_191 : i32 to index
        %get3A_193 = arith.constant 0 : index
        %get3A_194 = tpu.vector_load %arg7[%get3A_192, %get3A_193] {strides = array<i32>} : memref<2048x16xf32, #tpu.memory_space<vmem>>, vector<16xf32>,
        %add3A_195 = arith.addi %mul3A_37, %mul3A_190 : i32
        %add3A_196 = arith.constant 1 : i32
        %add3A_197 = arith.addi %add3A_195, %add3A_196 : i32
        %get3A_198 = arith.index_cast %add3A_197 : i32 to index
        %get3A_199 = arith.constant 0 : index
        %get3A_200 = tpu.vector_load %arg7[%get3A_198, %get3A_199] {strides = array<i32>} : memref<2048x16xf32, #tpu.memory_space<vmem>>, vector<16xf32>,
        %add3A_201 = arith.addf %sub3A, %add3A_186 : vector<16xf32>
        %add3A_202 = arith.addf %add3A_186, %get3A_194 : vector<16xf32>
        %add3A_203 = arith.addf %sub3A, %add3A_202 : vector<16xf32>
        %sub3A_204 = arith.constant 1.020000e+02 : f32
        %sub3A_205 = vector.broadcast %sub3A_204 : f32 to vector<16xf32>
        %sub3A_206 = arith.subf %sub3A_205, %add3A_201 : vector<16xf32>
        %max3A_207 = arith.constant 0.000000e+00 : f32
        %max3A_208 = vector.broadcast %max3A_207 : f32 to vector<16xf32>
        %max3A_209 = arith.maximumf %sub3A_206, %max3A_208 : vector<16xf32>
        %min3A_210 = arith.minimumf %max3A_209, %get3A_194 : vector<16xf32>
        %sub3A_211 = arith.constant 1.020000e+02 : f32
        %sub3A_212 = vector.broadcast %sub3A_211 : f32 to vector<16xf32>
        %sub3A_213 = arith.subf %sub3A_212, %add3A_203 : vector<16xf32>
        %max3A_214 = arith.constant 0.000000e+00 : f32
        %max3A_215 = vector.broadcast %max3A_214 : f32 to vector<16xf32>
        %max3A_216 = arith.maximumf %sub3A_213, %max3A_215 : vector<16xf32>
        %min3A_217 = arith.minimumf %max3A_216, %get3A_200 : vector<16xf32>
        %get3A_218 = arith.index_cast %mul3A_190 : i32 to index
        %get3A_219 = arith.constant 0 : index
        %get3A_220 = tpu.vector_load %arg8[%get3A_218, %get3A_219] {strides = array<i32>} : memref<64x16xf32, #tpu.memory_space<vmem>>, vector<16xf32>,
        %mul3A_221 = arith.mulf %min3A_210, %get3A_220 : vector<16xf32>
        %add3A_222 = arith.addf %add3A_178, %mul3A_221 : vector<16xf32>
        %add3A_223 = arith.constant 1 : i32
        %add3A_224 = arith.addi %mul3A_190, %add3A_223 : i32
        %get3A_225 = arith.index_cast %add3A_224 : i32 to index
        %get3A_226 = arith.constant 0 : index
        %get3A_227 = tpu.vector_load %arg8[%get3A_225, %get3A_226] {strides = array<i32>} : memref<64x16xf32, #tpu.memory_space<vmem>>, vector<16xf32>,
        %mul3A_228 = arith.mulf %min3A_217, %get3A_227 : vector<16xf32>
        %add3A_229 = arith.addf %add3A_185, %mul3A_228 : vector<16xf32>
        %add3A_230 = arith.addf %add3A_202, %get3A_200 : vector<16xf32>
        scf.yield %add3A_230, %add3A_222, %add3A_229 : vector<16xf32>, vector<16xf32>, vector<16xf32>
      }
      %scan3A_51 = arith.constant 32 : i32
      %add3A_52 = arith.addf %scan3A_50#1, %scan3A_50#2 : vector<16xf32>
      %swap3A = arith.index_cast %scan3A_34 : i32 to index
      %swap3A_53 = arith.constant 0 : index
      %swap3A_54 = tpu.vector_load %arg9[%swap3A, %swap3A_53] {strides = array<i32>} : memref<32x16xf32, #tpu.memory_space<vmem>>, vector<16xf32>,
      tpu.vector_store %arg9[%swap3A, %swap3A_53], %add3A_52 {strides = array<i32>} : memref<32x16xf32, #tpu.memory_space<vmem>>, vector<16xf32>,
      %scan3A_55 = arith.constant 0 : i32
      scf.yield %scan3A_55 : i32
    }
    %scan3A_33 = arith.constant 32 : i32
    "tpu.region"() ({
      %run_scoped3A = tpu.sem_alloc : memref<!tpu.dma_semaphore, #tpu.memory_space<semaphore_mem>>
      %dma_start3A_34 = arith.constant 0 : i32
      %dma_start3A_35 = tpu.memref_slice %arg4[%mul3A_2, %dma_start3A_34] : memref<1024x16xf32, #tpu.memory_space<hbm>> -> memref<32x16xf32, #tpu.memory_space<hbm>>
      %dma_start3A_36 = arith.constant 0 : i32
      %dma_start3A_37 = tpu.memref_slice %arg4[%mul3A_2, %dma_start3A_36] : memref<1024x16xf32, #tpu.memory_space<hbm>> -> memref<32x16xf32, #tpu.memory_space<hbm>>
      tpu.enqueue_dma source(%arg9 : memref<32x16xf32, #tpu.memory_space<vmem>>) target(%dma_start3A_37 : memref<32x16xf32, #tpu.memory_space<hbm>>) target_semaphore(%run_scoped3A : memref<!tpu.dma_semaphore, #tpu.memory_space<semaphore_mem>>)
      %dma_wait3A_38 = arith.constant 0 : i32
      %dma_wait3A_39 = tpu.memref_slice %arg4[%mul3A_2, %dma_wait3A_38] : memref<1024x16xf32, #tpu.memory_space<hbm>> -> memref<32x16xf32, #tpu.memory_space<hbm>>
      %dma_wait3A_40 = arith.constant 0 : i32
      %dma_wait3A_41 = tpu.memref_slice %arg4[%mul3A_2, %dma_wait3A_40] : memref<1024x16xf32, #tpu.memory_space<hbm>> -> memref<32x16xf32, #tpu.memory_space<hbm>>
      tpu.wait_dma2 semaphore(%run_scoped3A : memref<!tpu.dma_semaphore, #tpu.memory_space<semaphore_mem>>) src(%arg9 : memref<32x16xf32, #tpu.memory_space<vmem>>) dst(%dma_wait3A_41 : memref<32x16xf32, #tpu.memory_space<hbm>>)
      tpu.yield
    }) : () -> ()
    return
  }
}

module attributes {stable_mosaic.version = 14 : i64} {
  func.func @_final_kernel(%arg0: memref<1024x16xf32, #tpu.memory_space<vmem>>, %arg1: memref<1024x1xf32, #tpu.memory_space<vmem>>, %arg2: memref<1x1xf32, #tpu.memory_space<vmem>>) attributes {dimension_semantics = [], scalar_prefetch = 0 : i64, scratch_operands = 0 : i64, tpu.core_type = #tpu.core_type<tc>} {
    %get3A = arith.constant 0 : index
    %get3A_0 = arith.constant 0 : index
    %get3A_1 = vector.load %arg0[%get3A, %get3A_0] : memref<1024x16xf32, #tpu.memory_space<vmem>>, vector<1024x16xf32>
    %reduce_sum3A = arith.constant dense<0.000000e+00> : vector<1024xf32>
    %reduce_sum3A_2 = vector.multi_reduction <add>, %get3A_1, %reduce_sum3A [1] : vector<1024x16xf32> to vector<1024xf32>
    %broadcast_in_dim3A = vector.shape_cast %reduce_sum3A_2 : vector<1024xf32> to vector<1024x1xf32>
    %log3A = math.log %broadcast_in_dim3A : vector<1024x1xf32>
    %get3A_3 = arith.constant 0 : index
    %get3A_4 = arith.constant 0 : index
    %get3A_5 = vector.load %arg1[%get3A_3, %get3A_4] : memref<1024x1xf32, #tpu.memory_space<vmem>>, vector<1024x1xf32>
    %mul3A = arith.constant 2.000000e+00 : f32
    %mul3A_6 = vector.broadcast %mul3A : f32 to vector<1024x1xf32>
    %mul3A_7 = arith.mulf %mul3A_6, %get3A_5 : vector<1024x1xf32>
    %sub3A = arith.subf %log3A, %mul3A_7 : vector<1024x1xf32>
    %reduce_sum3A_8 = vector.shape_cast %sub3A : vector<1024x1xf32> to vector<1x1024x1xf32>
    %reduce_sum3A_9 = arith.constant dense<0.000000e+00> : vector<1xf32>
    %reduce_sum3A_10 = vector.multi_reduction <add>, %reduce_sum3A_8, %reduce_sum3A_9 [1, 2] : vector<1x1024x1xf32> to vector<1xf32>
    %reduce_sum3A_11 = vector.shape_cast %reduce_sum3A_10 : vector<1xf32> to vector<1x1x1xf32>
    %reduce_sum3A_12 = vector.extract %reduce_sum3A_11[0, 0, 0] : f32 from vector<1x1x1xf32>
    %mul3A_13 = arith.constant 9.765625E-4 : f32
    %mul3A_14 = arith.mulf %reduce_sum3A_12, %mul3A_13 : f32
    %broadcast_in_dim3A_15 = vector.broadcast %mul3A_14 : f32 to vector<1x1xf32>
    %swap3A = arith.constant 0 : index
    %swap3A_16 = arith.constant 0 : index
    %swap3A_17 = vector.load %arg2[%swap3A, %swap3A_16] : memref<1x1xf32, #tpu.memory_space<vmem>>, vector<1x1xf32>
    tpu.vector_store %arg2[%swap3A, %swap3A_16], %broadcast_in_dim3A_15 {strides = array<i32>} : memref<1x1xf32, #tpu.memory_space<vmem>>, vector<1x1xf32>,
    return
  }
}

module attributes {stable_mosaic.version = 14 : i64} {
  func.func @_prep_kernel(%arg0: memref<1024x1024xf32, #tpu.memory_space<vmem>>, %arg1: memref<1024x1024xf32, #tpu.memory_space<vmem>>, %arg2: memref<1024x1xf32, #tpu.memory_space<vmem>>, %arg3: memref<1024x1xf32, #tpu.memory_space<vmem>>) attributes {dimension_semantics = [], scalar_prefetch = 0 : i64, scratch_operands = 0 : i64, tpu.core_type = #tpu.core_type<tc>} {
    %get3A = arith.constant 0 : index
    %get3A_0 = arith.constant 0 : index
    %get3A_1 = vector.load %arg0[%get3A, %get3A_0] : memref<1024x1024xf32, #tpu.memory_space<vmem>>, vector<1024x1024xf32>
    %convert_element_type3A = arith.truncf %get3A_1 : vector<1024x1024xf32> to vector<1024x1024xbf16>
    %dot_general3A = arith.constant dense<0.000000e+00> : vector<1024x1024xf32>
    %dot_general3A_2 = tpu.matmul %convert_element_type3A, %convert_element_type3A, %dot_general3A {dimension_numbers = #tpu.dot_dimension_numbers<[1], [1], [0], [0], [0, 0, 1, 0], [], []>, transpose_lhs_hint = false} : vector<1024x1024xbf16>, vector<1024x1024xbf16>, vector<1024x1024xf32> -> vector<1024x1024xf32>
    %iota3A = tpu.iota {dimensions = array<i32: 0>} : vector<1024x1024xi32>
    %iota3A_3 = tpu.iota {dimensions = array<i32: 1>} : vector<1024x1024xi32>
    %eq3A = arith.cmpi eq, %iota3A, %iota3A_3 : vector<1024x1024xi32>
    %jit3A = arith.constant 0.000000e+00 : f32
    %broadcast_in_dim3A = vector.broadcast %jit3A : f32 to vector<1024x1024xf32>
    %select_n3A = arith.select %eq3A, %dot_general3A_2, %broadcast_in_dim3A : vector<1024x1024xi1>, vector<1024x1024xf32>
    %reduce_sum3A = arith.constant dense<0.000000e+00> : vector<1024xf32>
    %reduce_sum3A_4 = vector.multi_reduction <add>, %select_n3A, %reduce_sum3A [1] : vector<1024x1024xf32> to vector<1024xf32>
    %broadcast_in_dim3A_5 = vector.shape_cast %reduce_sum3A_4 : vector<1024xf32> to vector<1024x1xf32>
    %sqrt3A = math.sqrt %broadcast_in_dim3A_5 : vector<1024x1xf32>
    %max3A = arith.constant 9.99999996E-13 : f32
    %max3A_6 = vector.broadcast %max3A : f32 to vector<1024x1xf32>
    %max3A_7 = arith.maximumf %sqrt3A, %max3A_6 : vector<1024x1xf32>
    %div3A = arith.constant 1.000000e+00 : f32
    %div3A_8 = vector.broadcast %div3A : f32 to vector<1024x1xf32>
    %div3A_9 = arith.divf %div3A_8, %max3A_7 : vector<1024x1xf32>
    %reshape3A = vector.shape_cast %div3A_9 : vector<1024x1xf32> to vector<1x1024xf32>
    %mul3A = vector.broadcast %reshape3A : vector<1x1024xf32> to vector<1024x1024xf32>
    %mul3A_10 = arith.mulf %dot_general3A_2, %mul3A : vector<1024x1024xf32>
    %lt3A = arith.constant 512 : i32
    %lt3A_11 = vector.broadcast %lt3A : i32 to vector<1024x1024xi32>
    %lt3A_12 = arith.cmpi slt, %iota3A, %lt3A_11 : vector<1024x1024xi32>
    %add3A = arith.constant 512 : i32
    %add3A_13 = vector.broadcast %add3A : i32 to vector<1024x1024xi32>
    %add3A_14 = arith.addi %iota3A, %add3A_13 : vector<1024x1024xi32>
    %sub3A = arith.constant 512 : i32
    %sub3A_15 = vector.broadcast %sub3A : i32 to vector<1024x1024xi32>
    %sub3A_16 = arith.subi %iota3A, %sub3A_15 : vector<1024x1024xi32>
    %select_n3A_17 = arith.select %lt3A_12, %add3A_14, %sub3A_16 : vector<1024x1024xi1>, vector<1024x1024xi32>
    %eq3A_18 = arith.cmpi eq, %iota3A_3, %select_n3A_17 : vector<1024x1024xi32>
    %jit3A_19 = arith.constant 0.000000e+00 : f32
    %broadcast_in_dim3A_20 = vector.broadcast %jit3A_19 : f32 to vector<1024x1024xf32>
    %select_n3A_21 = arith.select %eq3A_18, %mul3A_10, %broadcast_in_dim3A_20 : vector<1024x1024xi1>, vector<1024x1024xf32>
    %reduce_sum3A_22 = arith.constant dense<0.000000e+00> : vector<1024xf32>
    %reduce_sum3A_23 = vector.multi_reduction <add>, %select_n3A_21, %reduce_sum3A_22 [1] : vector<1024x1024xf32> to vector<1024xf32>
    %broadcast_in_dim3A_24 = vector.shape_cast %reduce_sum3A_23 : vector<1024xf32> to vector<1024x1xf32>
    %mul3A_25 = arith.mulf %div3A_9, %broadcast_in_dim3A_24 : vector<1024x1xf32>
    %swap3A = arith.constant 0 : index
    %swap3A_26 = arith.constant 0 : index
    %swap3A_27 = vector.load %arg1[%swap3A, %swap3A_26] : memref<1024x1024xf32, #tpu.memory_space<vmem>>, vector<1024x1024xf32>
    tpu.vector_store %arg1[%swap3A, %swap3A_26], %mul3A_10 {strides = array<i32>} : memref<1024x1024xf32, #tpu.memory_space<vmem>>, vector<1024x1024xf32>,
    %swap3A_28 = arith.constant 0 : index
    %swap3A_29 = arith.constant 0 : index
    %swap3A_30 = vector.load %arg2[%swap3A_28, %swap3A_29] : memref<1024x1xf32, #tpu.memory_space<vmem>>, vector<1024x1xf32>
    tpu.vector_store %arg2[%swap3A_28, %swap3A_29], %div3A_9 {strides = array<i32>} : memref<1024x1xf32, #tpu.memory_space<vmem>>, vector<1024x1xf32>,
    %swap3A_31 = arith.constant 0 : index
    %swap3A_32 = arith.constant 0 : index
    %swap3A_33 = vector.load %arg3[%swap3A_31, %swap3A_32] : memref<1024x1xf32, #tpu.memory_space<vmem>>, vector<1024x1xf32>
    tpu.vector_store %arg3[%swap3A_31, %swap3A_32], %mul3A_25 {strides = array<i32>} : memref<1024x1xf32, #tpu.memory_space<vmem>>, vector<1024x1xf32>,
    return
  }
}

</mosaic_0001>

<sc_bundles>
// kernel: kernel.5.cloned.1.call-start
scs
__scs_entry_jumppad:
0x0: {  	(pc) =	sbr.rel $0x88, $3  }
0x1: {  	(tag) =	ssettag $0x0;
	lr =	simm.s32 $0x1  }
0x2: {  	[smem:$0x3FA0] =	sst lr;
	_ =	strace $0xD0000000  }
0x3: {  	_ = 	snop  }
0x4: {  	_ = 	snop  }
0x5: {  	_ = 	snop  }
0x6: {  	_ = 	snop  }
0x7: {  	_ = 	snop  }
__scs_overlays_trampoline_lowered:
0x8: {  	[smem:$0x3FAF] =	sst s0  }
0x9: {  	[smem:$0x3FB0] =	sst s1  }
0xa: {  	[smem:$0x3FB1] =	sst s2  }
0xb: {  	[smem:$0x3FB2] =	sst s3  }
0xc: {  	[smem:$0x3FB3] =	sst s4  }
0xd: {  	[smem:$0x3FB4] =	sst s5  }
0xe: {  	[smem:$0x3FB5] =	sst s6  }
0xf: {  	[smem:$0x3FB6] =	sst s7  }
0x10: {  	[smem:$0x3FB7] =	sst s8  }
0x11: {  	[smem:$0x3FB8] =	sst s9;
	s0 =	simm.s32 @!p0 $0x0  }
0x12: {  	s1 =	sld [smem:$0x3F9E];
	s0 =	simm.s32 @p0 $0x1  }
0x13: {  	[smem:$0x3FB9] =	sst s0;
	s0 =	simm.s32 @!p1 $0x0  }
0x14: {  	s2 =	sld [smem:$0x3F9D];
	s0 =	simm.s32 @p1 $0x1  }
0x15: {  	[smem:$0x3FBA] =	sst s0;
	s0 =	simm.s32 @!p2 $0x0  }
0x16: {  	s3 =	sld [smem:$0x3FDB];
	s0 =	simm.s32 @p2 $0x1  }
0x17: {  	s4 =	simm.s32 $0x1BF5;
	[smem:$0x3FBC] =	sst s0  }
0x18: {  	s0 =	sld [smem:$0x3F9F];
	_ =	swait.ge [sflag:s4], $0x0  }
0x19: {  	s7 =	sld [smem:$0x3FA0]  }
0x1a: {  	s8 =	sadd.s32 $0xFFFFE003, lr  }
0x1b: {  	s9 =	sadd.s32 $0xFFFFFEF7, lr;
	s5 =	simm.s32 $0xFFFFFFFF;
	p2 =	slt.u32 s8, $0xFFFFF086  }
0x1c: {  	p1 =	slt.u32 s9, $0xF7A;
	s5 =	simm.s32 @!p2 $0x0  }
0x1d: {  	s5 =	simm.s32 @p1 $0x1;
	p0 =	seq.s32 s7, s2  }
0x1e: {  	s7 =	smul.u32 @!p0 $0xF7A, s2;
	p2 =	seq.s32 @!p0 s5, $0x0  }
0x1f: {  	s9 =	smul.u32 $0xF7A, s1;
	s8 =	simm.s32 @!p0 $0x1BF5;
	p2 =	por !p2, p0  }
0x20: {  	[sflag:s8] =	ssyncset.s32 @!p0 $0xFFFFF086;
	s6 =	sadd.s32 @!p0 s3, s7;
	s7 =	simm.s32 @!p0 $0x108  }
0x21: {  	s3 =	sadd.s32 s3, s9;
	s6 =	sadd.s32 @!p0 $0x88, s6;
	s7 =	simm.s32 @p2 $0x1082  }
0x22: {  	[simem:s7], [sflag:s8] =	dma.local @!p0 [hbm:s6], $0xF7A  }
0x23: {  	s9 =	sor.u32 $0xD0000000, s2;
	s6 =	simm.s32 $0x108;
	_ =	swait.ge @!p0 [sflag:s8], $0x0  }
0x24: {  	s3 =	sadd.s32 $0x88, s3;
	s6 =	simm.s32 @!p1 $0x1082;
	[sflag:s4] =	ssyncset.s32 $0xFFFFF086  }
0x25: {  	[simem:s6], [sflag:s4] =	dma.local [hbm:s3], $0xF7A  }
0x26: {  	[smem:$0x3FA0] =	sst s1;
	(tag) =	ssettag s2;
	_ =	strace s9  }
0x27: {  	s1 =	sld [smem:$0x3FB0]  }
0x28: {  	s2 =	sld [smem:$0x3FB1]  }
0x29: {  	s4 =	sld [smem:$0x3FB3]  }
0x2a: {  	p0 =	seq.s32 s5, $0x0;
	s5 =	sld [smem:$0x3FB4]  }
0x2b: {  	s6 =	sld [smem:$0x3FB5]  }
0x2c: {  	s7 =	sld [smem:$0x3FB6]  }
0x2d: {  	s3 =	simm.s32 $0x108;
	s8 =	sld [smem:$0x3FB7]  }
0x2e: {  	s3 =	simm.s32 @!p0 $0x1082;
	s9 =	sld [smem:$0x3FB8]  }
0x2f: {  	lr =	sadd.s32 s0, s3;
	s0 =	sld [smem:$0x3FAF]  }
0x30: {  	s3 =	sld [smem:$0x3FB2]  }
0x31: {  	[smem:$0x3FBB] =	sst s10  }
0x32: {  	s10 =	sld [smem:$0x3FB9];
	_ =	sdelay $0x3  }
0x33: {  	p0 =	seq.s32 s10, $0x1;
	s10 =	sld [smem:$0x3FBB];
	_ =	sdelay $0x3  }
0x34: {  	[smem:$0x3FBB] =	sst s10  }
0x35: {  	s10 =	sld [smem:$0x3FBA];
	_ =	sdelay $0x3  }
0x36: {  	p1 =	seq.s32 s10, $0x1;
	s10 =	sld [smem:$0x3FBB];
	_ =	sdelay $0x3  }
0x37: {  	[smem:$0x3FBB] =	sst s10  }
0x38: {  	s10 =	sld [smem:$0x3FBC]  }
0x39: {  	_ = 	snop;
	(pc) =	sbr.ind lr, $3  }
0x3a: {  	_ = 	snop  }
0x3b: {  	_ = 	snop  }
0x3c: {  	p2 =	seq.s32 s10, $0x1;
	s10 =	sld [smem:$0x3FBB]  }
0x3d: {  	_ =	shalt  }
0x3e: {  	_ =	shalt  }
0x3f: {  	_ =	shalt  }
0x40: {  	_ =	shalt  }
0x41: {  	_ =	shalt  }
0x42: {  	_ =	shalt  }
0x43: {  	_ =	shalt  }
0x44: {  	_ =	shalt  }
0x45: {  	_ =	shalt  }
0x46: {  	_ =	shalt  }
0x47: {  	_ =	shalt  }
0x48: {  	_ =	shalt  }
0x49: {  	_ =	shalt  }
0x4a: {  	_ =	shalt  }
0x4b: {  	_ =	shalt  }
0x4c: {  	_ =	shalt  }
0x4d: {  	_ =	shalt  }
0x4e: {  	_ =	shalt  }
0x4f: {  	_ =	shalt  }
0x50: {  	_ =	shalt  }
0x51: {  	_ =	shalt  }
0x52: {  	_ =	shalt  }
0x53: {  	_ =	shalt  }
0x54: {  	_ =	shalt  }
0x55: {  	_ =	shalt  }
0x56: {  	_ =	shalt  }
0x57: {  	_ =	shalt  }
0x58: {  	_ =	shalt  }
0x59: {  	_ =	shalt  }
0x5a: {  	_ =	shalt  }
0x5b: {  	_ =	shalt  }
0x5c: {  	_ =	shalt  }
0x5d: {  	_ =	shalt  }
0x5e: {  	_ =	shalt  }
0x5f: {  	_ =	shalt  }
0x60: {  	_ =	shalt  }
0x61: {  	_ =	shalt  }
0x62: {  	_ =	shalt  }
0x63: {  	_ =	shalt  }
0x64: {  	_ =	shalt  }
0x65: {  	_ =	shalt  }
0x66: {  	_ =	shalt  }
0x67: {  	_ =	shalt  }
0x68: {  	_ =	shalt  }
0x69: {  	_ =	shalt  }
0x6a: {  	_ =	shalt  }
0x6b: {  	_ =	shalt  }
0x6c: {  	_ =	shalt  }
0x6d: {  	_ =	shalt  }
0x6e: {  	_ =	shalt  }
0x6f: {  	_ =	shalt  }
0x70: {  	_ =	shalt  }
0x71: {  	_ =	shalt  }
0x72: {  	_ =	shalt  }
0x73: {  	_ =	shalt  }
0x74: {  	_ =	shalt  }
0x75: {  	_ =	shalt  }
0x76: {  	_ =	shalt  }
0x77: {  	_ =	shalt  }
0x78: {  	_ =	shalt  }
0x79: {  	_ =	shalt  }
0x7a: {  	_ =	shalt  }
0x7b: {  	_ =	shalt  }
0x7c: {  	_ =	shalt  }
0x7d: {  	_ =	shalt  }
0x7e: {  	_ =	shalt  }
0x7f: {  	_ =	shalt  }
0x80: {  	_ =	shalt  }
0x81: {  	_ =	shalt  }
0x82: {  	_ =	shalt  }
0x83: {  	_ =	shalt  }
0x84: {  	_ =	shalt  }
0x85: {  	_ =	shalt  }
0x86: {  	_ =	shalt  }
0x87: {  	_ =	shalt  }
.Lfunc_end0:
.L_simem_size_0:
called_computation_lowered:
.L_overlay_start_0:
0x88: {  	s2 =	sld [smem:$0x3FD9]  }
0x89: {  	s3 =	sld [smem:$0x3FFE];
	_ =	sdelay $0x1  }
0x8a: {  	s1 =	srdreg.scid  }
0x8b: {  	s0 =	sand.u32 $0x1, s1  }
0x8c: {  	s16 =	sshll.u32 s0, $0xA;
	s2 =	sadd.s32 s3, s2  }
0x8d: {  	s2 =	sadd.s32 s2, s16  }
0x8e: {  	[smem:$0x3FC7] =	sst s2  }
0x8f: {  	_ = 	snop  }
0x90: {  	(tm) =	ssettm $0x1  }
0x91: {  	s17 =	sld [smem:$0x3FFB];
	_ =	sdelay $0x3  }
0x92: {  	_ =	strace s17  }
0x93: {  	s2 =	sld [smem:$0x3FFC];
	_ =	sdelay $0x3  }
0x94: {  	_ =	strace s2  }
0x95: {  	s2 =	sld [smem:$0x3FFD];
	_ =	sdelay $0x3  }
0x96: {  	_ =	strace s2  }
0x97: {  	_ =	strace $0x8FFFFFFF  }
0x98: {  	s18 =	sld [smem:$0x3FDB];
	_ =	sdelay $0x1  }
0x99: {  	s19 =	simm.s32 $_scs_section_size  }
0x9a: {  	s4 =	simm.s32 $_size__tile_overlayer_lowered;
	s5 =	simm.s32 $_tile_overlayer_lowered  }
0x9b: {  	s22 =	simm.s32 $0x1BFF;
	s21 =	sshll.u32 s5, $0x1;
	s2 =	sadd.s32 s19, s18  }
0x9c: {  	s6 =	simm.s32 $0x0;
	s20 =	sshll.u32 s4, $0x1;
	s4 =	sadd.s32 s21, s2  }
0x9d: {  	[timem:s6], [sflag:s22] =	dma.local [hbm:s4], s20  }
0x9e: {  	_ =	swait.ge [sflag:s22], s20  }
0x9f: {  	s3 =	ssub.s32 $0x0, s20;
	[sflag:s22] =	ssyncset.done $0x0  }
0xa0: {  	[sflag:s22] =	ssyncadd.s32 s3;
	_ =	sdelay $0x1  }
0xa1: {  	s23 =	simm.s32 $0x1B8B  }
0xa2: {  	_ =	swait.ge [sflag:s23], $0x1  }
0xa3: {  	[sflag:s23] =	ssyncset.done $0x0  }
0xa4: {  	s25 =	simm.s32 $0x1B8E;
	s24 =	sld [smem:$0x3FFE];
	[sflag:s23] =	ssyncadd.s32 $0xFFFFFFFF  }
0xa5: {  	s26 =	simm.s32 $execute0_lowered;
	[smem:$0x3FD2] =	sst s25  }
0xa6: {  	s4 =	sshll.u32 s26, $0x1;
	_ =	strace $0x80000046;
	[dreg:$0x1] =	wrdreg $0xFFFFFFFF  }
0xa7: {  	s28 =	simm.s32 $_size_execute0_lowered;
	s2 =	sadd.s32 s2, s4;
	[dreg:$0x0] =	wrdreg $0x0  }
0xa8: {  	s4 =	sshll.u32 s28, $0x1;
	[dreg:$0x2] =	wrdreg s2  }
0xa9: {  	[dreg:$0x3] =	wrdreg s4  }
0xaa: {  	[dreg:$0x4] =	wrdreg $0xC0  }
0xab: {  	_ =	task [dreg:s6], $0x5FFFF  }
0xac: {  	[dreg:$0x1] =	wrdreg $0xFFFFFFFF  }
0xad: {  	[dreg:$0x0] =	wrdreg $0x60  }
0xae: {  	[dreg:$0x2] =	wrdreg s24  }
0xaf: {  	[dreg:$0x3] =	wrdreg $0x9  }
0xb0: {  	_ =	task.clear_ibuf [dreg:s6], $0x4FFFF;
	_ =	strace $0x90000046  }
0xb1: {  	s29 =	simm.s32 $0x9;
	_ =	strace $0x80000048  }
0xb2: {  	_ =	swait.ge [sflag:s29], $0x1  }
0xb3: {  	[sflag:s29] =	ssyncadd.s32 $0xFFFFFFFF  }
0xb4: {  	_ =	strace $0x90000048  }
0xb5: {  	_ =	sfence  }
0xb6: {  	s30 =	sld [smem:$0x0];
	_ =	sdelay $0x2  }
0xb7: {  	s31 =	sshll.u32 s1, $0xD;
	s1 =	sshrl.u32 s1, $0x2  }
0xb8: {  	s3 =	sand.u32 $0x4000, s31;
	s1 =	sadd.s32 s1, s30  }
0xb9: {  	s0 =	sor.u32 s3, s0;
	s1 =	sshll.u32 s1, $0x11  }
0xba: {  	s0 =	sor.u32 s1, s0  }
0xbb: {  	s0 =	sadd.s32 $0x8F2B, s0  }
0xbc: {  	[sflag:s0] =	ssyncadd.remote.s32 $0x1  }
0xbd: {  	_ =	sfence.sel $0xFFFF  }
0xbe: {  	[dreg:$0x0] =	wrdreg $0xFFFFFFFF;
	(pc) =	sbr.abs _section_cstart, $3  }
0xbf: {  	[dreg:$0x1] =	wrdreg $0xFFFFFFFF  }
0xc0: {  	_ =	task.clear_ibuf [dreg:s6], $0x2FFFF;
	_ =	strace $0x9FFFFFFF  }
0xc1: {  	(tm) =	ssettm $0x7FFFFFFF  }
tec
execute0_lowered:
.L_overlay_start_1:
0x0: {  	(tag) =	ssettag $0x1  }
0x1: {  	v0 =	vimm.f32 $3.750000000e+00;
	vm0 =	vcmask $0x300  }
0x2: {  	vm14 =	vcmask $0x704;
	v0 =	vsel vm0, $0x0, v0  }
0x3: {  	vm15 =	vcmask $0xB08;
	v0 =	vsel vm14, $0x3E800000, v0  }
0x4: {  	vm4 =	vcmask $0xF0C;
	v0 =	vsel vm15, $0x3F000000, v0  }
0x5: {  	vm5 =	vcmask $0x1310;
	v0 =	vsel vm4, $0x3F400000, v0  }
0x6: {  	s3 =	rddreg [dreg:$0x0];
	vm6 =	vcmask $0x1714;
	v0 =	vsel vm5, $0x3F800000, v0  }
0x7: {  	s2 =	srdreg.scid;
	s0 =	rddreg [dreg:$0x1];
	vm7 =	vcmask $0x1B18;
	v0 =	vsel vm6, $0x3FA00000, v0  }
0x8: {  	s1 =	stileid.u32;
	vm8 =	vcmask $0x1F1C;
	s9 =	simm.s32 $0x1;
	s10 =	simm.s32 $0x8020;
	v0 =	vsel vm7, $0x3FC00000, v0  }
0x9: {  	vm9 =	vcmask $0x2320;
	s11 =	simm.s32 $0x10420;
	s12 =	simm.s32 $0x0;
	s4 =	sand.u32 $0x1, s2;
	v0 =	vsel vm8, $0x3FE00000, v0  }
0xa: {  	vm10 =	vcmask $0x2724;
	s2 =	simm.s32 $0x0;
	s5 =	sshll.u32 s1, $0x6;
	s6 =	sshll.u32 s4, $0x5;
	v0 =	vsel vm9, $0x40000000, v0  }
0xb: {  	vm11 =	vcmask $0x2B28;
	[smem:$0x7FF] =	sst s2;
	s4 =	ssub.s32 $0x2, s4;
	s5 =	sor.u32 s6, s5;
	v0 =	vsel vm10, $0x40100000, v0  }
0xc: {  	vm12 =	vcmask $0x2F2C;
	_ =	strace $0x80000047;
	s8 =	sshrl.u32 s4, $0x1;
	s6 =	sshll.u32 s5, $0x7;
	v0 =	vsel vm11, $0x40200000, v0  }
0xd: {  	vm13 =	vcmask $0x3330;
	s7 =	sshrl.u32 s5, $0x3;
	s5 =	sshll.u32 s5, $0x1;
	s8 =	ssub.s32 s4, s8;
	v0 =	vsel vm12, $0x40300000, v0  }
0xe: {  	vm14 =	vcmask $0x3734;
	s6 =	sadd.s32 s6, s3;
	s7 =	sadd.s32 s7, s3;
	s5 =	sadd.s32 s5, s3;
	v0 =	vsel vm13, $0x40400000, v0  }
0xf: {  	vm15 =	vcmask $0x3B38;
	s3 =	sadd.s32 $0x400, s6;
	s4 =	sadd.s32 $0x20400, s7;
	s5 =	sadd.s32 $0x20600, s5;
	v0 =	vsel vm14, $0x40500000, v0  }
0x10: {  	v1 =	vimm.f32 $0.0e+00;
	v2 =	vimm.f32 $1.000000000e+00;
	s6 =	smax.u32 s8, $0x1;
	s7 =	simm.s32 $0x8000;
	s8 =	simm.s32 $0x2;
	v0 =	vsel vm15, $0x40600000, v0  }
.LBB2_1:
0x11: {  	s13 =	scvt.s32.f32 s2;
	_ =	sdelay $0x1  }
0x12: {  	s13 =	smul.f32 $3.906250000e-03, s13  }
0x13: {  	[tilespmem:s2], [sflag:$0x1] =	stream.linear.gather [hbm4b:s3+s2], $0x8000, $0x38;
	[tilespmem:$0x10620] =	vst v63  }
0x14: {  	s13 =	sadd.f32 $-1.998046880e+00, s13  }
0x15: {  	s30 =	simm.s32 $0x1  }
0x16: {  	v3 =	vadd.f32 s13, v0;
	s13 =	scvt.s32.f32 s30  }
0x17: {  	[tilespmem:s7], [sflag:$0x2] =	stream.linear.gather [hbm4b:s4+s2], $0x20, $0x38;
	[tilespmem:$0x10620] =	vst v63  }
0x18: {  	s14 =	simm.s32 $0x2;
	v3 =	vmul.f32 $1.442695020e+00, v3;
	s13 =	smul.f32 $3.906250000e-03, s13  }
0x19: {  	s14 =	scvt.s32.f32 s14;
	_ =	swait.ge [sflag:s8], $0x20  }
0x1a: {  	(erf) = vpow2.f32 v3;
	s13 =	sadd.f32 $-1.998046880e+00, s13  }
0x1b: {  	s14 =	smul.f32 $3.906250000e-03, s14  }
0x1c: {  	v3 =	vadd.f32 s13, v0  }
0x1d: {  	s14 =	sadd.f32 $-1.998046880e+00, s14  }
0x1e: {  	v3 =	vmul.f32 $1.442695020e+00, v3  }
0x1f: {  	v4 =	vadd.f32 s14, v0  }
0x20: {  	(erf) = vpow2.f32 v3  }
0x21: {  	s15 =	simm.s32 $0x3;
	v4 =	vmul.f32 $1.442695020e+00, v4  }
0x22: {  	s31 =	scvt.s32.f32 s15  }
0x23: {  	v3 =	vpop (erf);
	(erf) = vpow2.f32 v4  }
0x24: {  	s15 =	smul.f32 $3.906250000e-03, s31;
	[sflag:s8] =	ssyncset.done $0x0  }
0x25: {  	[sflag:s8] =	ssyncadd.s32 $0xFFFFFFE0;
	s13 =	simm.s32 $0x10020  }
0x26: {  	s15 =	sadd.f32 $-1.998046880e+00, s15;
	s14 =	simm.s32 $0x4;
	[tilespmem:s13+$0x0] =	vst v3  }
.LBB2_2:
0x27: {  	p0 =	sne.s32 s14, $0x3F  }
.Ltmp0:
0x28: {  	s16 =	scvt.s32.f32 s14;
	s14 =	sadd.s32 $0x1, s14;
	v3 =	vadd.f32 s15, v0;
	(pc) =	sbr.rel @p0 .LBB2_2-.Ltmp0, $3  }
0x29: {  	s13 =	sadd.s32 $0x10, s13;
	v4 =	vpop (erf)  }
0x2a: {  	s15 =	smul.f32 $3.906250000e-03, s16;
	v3 =	vmul.f32 $1.442695020e+00, v3;
	[tilespmem:s13+$0x0] =	vst v4;
	_ =	sdelay $0x1  }
0x2b: {  	s15 =	sadd.f32 $-1.998046880e+00, s15;
	(erf) = vpow2.f32 v3  }
0x2c: {  	_ = 	snop  }
0x2d: {  	v3 =	vadd.f32 s15, v0;
	_ =	sdelay $0x1  }
0x2e: {  	v3 =	vmul.f32 $1.442695020e+00, v3;
	_ =	sdelay $0x1  }
0x2f: {  	(erf) = vpow2.f32 v3;
	_ =	sdelay $0x6  }
0x30: {  	s13 =	sadd.s32 $0x10, s13;
	v3 =	vpop (erf)  }
0x31: {  	[tilespmem:s13+$0x0] =	vst v3;
	v3 =	vpop (erf);
	s13 =	sadd.s32 $0x10, s13  }
0x32: {  	[tilespmem:s13+$0x0] =	vst v3;
	s13 =	sadd.s32 $0x10, s13;
	v3 =	vpop (erf)  }
0x33: {  	[tilespmem:s13+$0x0] =	vst v3;
	s13 =	simm.s32 $0x80A0  }
0x34: {  	[tilespmem:s13+$0xFFFFFF80] =	vst v1  }
0x35: {  	[tilespmem:s13+$0x70] =	vst v1  }
0x36: {  	[tilespmem:s13+$0x60] =	vst v1  }
0x37: {  	[tilespmem:s13+$0x50] =	vst v1  }
0x38: {  	[tilespmem:s13+$0x40] =	vst v1  }
0x39: {  	[tilespmem:s13+$0x30] =	vst v1  }
0x3a: {  	[tilespmem:s13+$0x20] =	vst v1  }
0x3b: {  	[tilespmem:s13+$0x10] =	vst v1  }
0x3c: {  	[tilespmem:s13+$0x0] =	vst v1  }
0x3d: {  	[tilespmem:s13+$0xFFFFFFF0] =	vst v1  }
0x3e: {  	[tilespmem:s13+$0xFFFFFFE0] =	vst v1  }
0x3f: {  	[tilespmem:s13+$0xFFFFFFD0] =	vst v1  }
0x40: {  	[tilespmem:s13+$0xFFFFFFC0] =	vst v1  }
0x41: {  	[tilespmem:s13+$0xFFFFFFB0] =	vst v1  }
0x42: {  	s14 =	simm.s32 $0x0;
	[tilespmem:s13+$0xFFFFFFA0] =	vst v1  }
.LBB2_4:
0x43: {  	s14 =	sadd.s32 $0x10, s14;
	[tilespmem:s13+$0xFFFFFF90] =	vst v1;
	s13 =	sadd.s32 $0x100, s13  }
0x44: {  	[tilespmem:s13+$0xFFFFFF80] =	vst v1;
	p0 =	slt.u32 s14, $0x7F0  }
0x45: {  	[tilespmem:s13+$0x70] =	vst v1  }
0x46: {  	[tilespmem:s13+$0x60] =	vst v1  }
0x47: {  	[tilespmem:s13+$0x50] =	vst v1  }
0x48: {  	[tilespmem:s13+$0x40] =	vst v1  }
0x49: {  	[tilespmem:s13+$0x30] =	vst v1  }
0x4a: {  	[tilespmem:s13+$0x20] =	vst v1  }
0x4b: {  	[tilespmem:s13+$0x10] =	vst v1  }
0x4c: {  	[tilespmem:s13+$0x0] =	vst v1  }
0x4d: {  	[tilespmem:s13+$0xFFFFFFF0] =	vst v1  }
.Ltmp1:
0x4e: {  	[tilespmem:s13+$0xFFFFFFE0] =	vst v1;
	(pc) =	sbr.rel @p0 .LBB2_4-.Ltmp1, $4  }
0x4f: {  	[tilespmem:s13+$0xFFFFFFD0] =	vst v1  }
0x50: {  	[tilespmem:s13+$0xFFFFFFC0] =	vst v1  }
0x51: {  	[tilespmem:s13+$0xFFFFFFB0] =	vst v1  }
0x52: {  	[tilespmem:s13+$0xFFFFFFA0] =	vst v1  }
0x53: {  	[tilespmem:s13+$0xFFFFFF90] =	vst v1  }
0x54: {  	_ =	swait.ge [sflag:s9], $0x8000  }
0x55: {  	[sflag:s9] =	ssyncset.done $0x0  }
0x56: {  	s13 =	simm.s32 $0x0;
	s14 =	simm.s32 $0x40;
	[sflag:s9] =	ssyncadd.s32 $0xFFFF8000  }
.LBB2_6:
0x57: {  	v3 =	vmov s13;
	_ =	sdelay $0x3  }
0x58: {  	v4 =	vld [tilespmem:s14+$0x30]  }
0x59: {  	v3 =	vld.idx.msk [tilespmem:v3+s7+$0x0], $0xffff  }
0x5a: {  	v5 =	vld [tilespmem:s14+$0xFFFFFFD0]  }
0x5b: {  	v6 =	vld [tilespmem:s14+$0xFFFFFFE0]  }
0x5c: {  	v7 =	vld [tilespmem:s14+$0xFFFFFFF0]  }
0x5d: {  	v8 =	vld [tilespmem:s14+$0x0]  }
0x5e: {  	v9 =	vld [tilespmem:s14+$0x10];
	v3 =	vmul.f32 $5.120000000e+02, v3  }
0x5f: {  	v10 =	vld [tilespmem:s14+$0x20]  }
0x60: {  	v11 =	vld [tilespmem:s14+$0xFFFFFFC0];
	v4 =	vmul.f32 v4, v3  }
0x61: {  	v5 =	vmul.f32 v5, v3;
	v6 =	vmul.f32 v6, v3  }
0x62: {  	v7 =	vmul.f32 v7, v3;
	v8 =	vmul.f32 v8, v3  }
0x63: {  	v9 =	vmul.f32 v9, v3;
	v12 =	vadd.f32 $5.120000000e+02, v4;
	v5 =	vadd.f32 $5.120000000e+02, v5  }
0x64: {  	v10 =	vmul.f32 v10, v3;
	v6 =	vadd.f32 $5.120000000e+02, v6;
	v7 =	vadd.f32 $5.120000000e+02, v7  }
0x65: {  	v11 =	vmul.f32 v11, v3;
	v8 =	vadd.f32 $5.120000000e+02, v8;
	v9 =	vadd.f32 $5.120000000e+02, v9  }
0x66: {  	v10 =	vadd.f32 $5.120000000e+02, v10;
	v12 =	vtrunc.f32 v12;
	v5 =	vtrunc.f32 v5  }
0x67: {  	v11 =	vadd.f32 $5.120000000e+02, v11;
	v6 =	vtrunc.f32 v6;
	v7 =	vtrunc.f32 v7  }
0x68: {  	v8 =	vtrunc.f32 v8;
	v9 =	vtrunc.f32 v9  }
0x69: {  	v11 =	vtrunc.f32 v11;
	v10 =	vtrunc.f32 v10  }
0x6a: {  	v12 =	vcvt.f32.s32 v12;
	v11 =	vcvt.f32.s32 v11  }
0x6b: {  	s15 =	sshll.u32 s13, $0x6;
	v5 =	vcvt.f32.s32 v5;
	v6 =	vcvt.f32.s32 v6  }
0x6c: {  	v4 =	vmov s15;
	v7 =	vcvt.f32.s32 v7;
	v8 =	vcvt.f32.s32 v8  }
0x6d: {  	v9 =	vcvt.f32.s32 v9;
	v10 =	vcvt.f32.s32 v10;
	vm0 =	vgt.s32 v12, $0x0  }
0x6e: {  	vm14 =	vgt.s32 v11, $0x0;
	vm1 =	vgt.s32 v5, $0x0;
	vm2 =	vgt.s32 v6, $0x0  }
0x6f: {  	vm3 =	vgt.s32 v7, $0x0;
	vm4 =	vgt.s32 v8, $0x0;
	vm15 =	vgt.s32 v9, $0x0  }
0x70: {  	vm5 =	vgt.s32 v10, $0x0;
	v12 =	vnsel vm0, $0x0, v12;
	v11 =	vnsel vm14, $0x0, v11  }
0x71: {  	v5 =	vnsel vm1, $0x0, v5;
	v6 =	vnsel vm2, $0x0, v6;
	v12 =	vmin.u32 v12, $0x3FF  }
0x72: {  	v7 =	vnsel vm3, $0x0, v7;
	v14 =	vnsel vm15, $0x0, v9;
	v13 =	vand.u32 $0x3F, v12  }
0x73: {  	v15 =	vnsel vm5, $0x0, v10;
	v11 =	vmin.u32 v11, $0x3FF;
	v13 =	vor.u32 v4, v13  }
0x74: {  	v10 =	vmin.u32 v5, $0x3FF;
	v12 =	vshrl.u32 v12, $0x6;
	v13 =	vshll.u32 v13, $0x4  }
0x75: {  	v9 =	vmin.u32 v6, $0x3FF;
	v5 =	vmin.u32 v14, $0x3FF;
	v12 =	vor.u32 v12, v13  }
0x76: {  	v6 =	vmin.u32 v15, $0x3FF;
	v14 =	vand.u32 $0x3F, v10;
	v15 =	vand.u32 $0x3F, v9  }
0x77: {  	v21 =	vand.u32 $0x3F, v6;
	v18 =	vor.u32 v4, v14;
	v13 =	vnsel vm4, $0x0, v8  }
0x78: {  	v17 =	vor.u32 v4, v15;
	v8 =	vmin.u32 v7, $0x3FF;
	v7 =	vmin.u32 v13, $0x3FF  }
0x79: {  	v13 =	vand.u32 $0x3F, v11;
	v19 =	vand.u32 $0x3F, v8;
	v20 =	vand.u32 $0x3F, v7  }
0x7a: {  	v16 =	vor.u32 v4, v13;
	v14 =	vor.u32 v4, v19;
	[tilespmem:v12+s10+$0x0] =	vst.idx.add.f32.msk $0xffff, v2;
	v12 =	vand.u32 $0x3F, v5  }
0x7b: {  	s16 =	sadd.s32 $0x80, s14;
	s15 =	simm.s32 $0x0;
	v15 =	vor.u32 v4, v20;
	v13 =	vor.u32 v4, v12;
	v12 =	vor.u32 v4, v21  }
.LBB2_7:
0x7c: {  	v19 =	vld [tilespmem:s16+$0x30];
	s15 =	sadd.s32 $0x8, s15;
	v16 =	vshll.u32 v16, $0x4;
	v18 =	vshll.u32 v18, $0x4;
	v17 =	vshll.u32 v17, $0x4  }
0x7d: {  	v14 =	vshll.u32 v14, $0x4;
	v15 =	vshll.u32 v15, $0x4;
	v13 =	vshll.u32 v13, $0x4;
	v20 =	vld [tilespmem:s16+$0xFFFFFFD0];
	p0 =	slt.u32 s15, $0x38  }
0x7e: {  	v11 =	vshrl.u32 v11, $0x6;
	v10 =	vshrl.u32 v10, $0x6;
	v12 =	vshll.u32 v12, $0x4;
	v21 =	vld [tilespmem:s16+$0xFFFFFFE0]  }
0x7f: {  	v9 =	vshrl.u32 v9, $0x6;
	v8 =	vshrl.u32 v8, $0x6;
	v7 =	vshrl.u32 v7, $0x6;
	v22 =	vld [tilespmem:s16+$0xFFFFFFF0]  }
0x80: {  	v5 =	vshrl.u32 v5, $0x6;
	v6 =	vshrl.u32 v6, $0x6;
	v11 =	vor.u32 v11, v16;
	v23 =	vld [tilespmem:s16+$0x0]  }
0x81: {  	v10 =	vor.u32 v10, v18;
	v9 =	vor.u32 v9, v17;
	v16 =	vld [tilespmem:s16+$0x10];
	v19 =	vmul.f32 v19, v3  }
0x82: {  	v8 =	vor.u32 v8, v14;
	v7 =	vor.u32 v7, v15;
	v17 =	vmul.f32 v20, v3;
	v18 =	vld [tilespmem:s16+$0x20]  }
0x83: {  	v5 =	vor.u32 v5, v13;
	v14 =	vld [tilespmem:s16+$0xFFFFFFC0];
	v15 =	vmul.f32 v21, v3;
	v19 =	vadd.f32 $5.120000000e+02, v19  }
0x84: {  	v6 =	vor.u32 v6, v12;
	v13 =	vadd.f32 $5.120000000e+02, v17;
	v17 =	vmul.f32 v22, v3  }
0x85: {  	v12 =	vadd.f32 $5.120000000e+02, v15;
	v15 =	vmul.f32 v23, v3;
	v19 =	vtrunc.f32 v19;
	[tilespmem:v11+s10+$0x0] =	vst.idx.add.f32.msk $0xffff, v2  }
0x86: {  	v11 =	vadd.f32 $5.120000000e+02, v17;
	v16 =	vmul.f32 v16, v3;
	v17 =	vcvt.f32.s32 v19;
	[tilespmem:v10+s10+$0x0] =	vst.idx.add.f32.msk $0xffff, v2  }
0x87: {  	v10 =	vtrunc.f32 v13;
	v13 =	vadd.f32 $5.120000000e+02, v15;
	v15 =	vmul.f32 v18, v3;
	[tilespmem:v9+s10+$0x0] =	vst.idx.add.f32.msk $0xffff, v2  }
0x88: {  	v9 =	vmul.f32 v14, v3;
	v14 =	vadd.f32 $5.120000000e+02, v16;
	vm0 =	vgt.s32 v17, $0x0;
	[tilespmem:v8+s10+$0x0] =	vst.idx.add.f32.msk $0xffff, v2  }
0x89: {  	v8 =	vtrunc.f32 v12;
	v12 =	vadd.f32 $5.120000000e+02, v15;
	v15 =	vnsel vm0, $0x0, v17;
	[tilespmem:v7+s10+$0x0] =	vst.idx.add.f32.msk $0xffff, v2  }
0x8a: {  	v7 =	vadd.f32 $5.120000000e+02, v9;
	v9 =	vtrunc.f32 v11;
	v11 =	vmin.u32 v15, $0x3FF;
	[tilespmem:v5+s10+$0x0] =	vst.idx.add.f32.msk $0xffff, v2  }
0x8b: {  	v5 =	vtrunc.f32 v13;
	v13 =	vtrunc.f32 v14;
	v14 =	vand.u32 $0x3F, v11;
	[tilespmem:v6+s10+$0x0] =	vst.idx.add.f32.msk $0xffff, v2  }
0x8c: {  	v6 =	vtrunc.f32 v7;
	v7 =	vtrunc.f32 v12;
	v12 =	vor.u32 v4, v14  }
0x8d: {  	v11 =	vshrl.u32 v11, $0x6;
	v6 =	vcvt.f32.s32 v6;
	v12 =	vshll.u32 v12, $0x4  }
0x8e: {  	v10 =	vcvt.f32.s32 v10;
	v8 =	vcvt.f32.s32 v8;
	v11 =	vor.u32 v11, v12  }
0x8f: {  	v9 =	vcvt.f32.s32 v9;
	v5 =	vcvt.f32.s32 v5;
	vm0 =	vgt.s32 v6, $0x0  }
0x90: {  	vm1 =	vgt.s32 v10, $0x0;
	v7 =	vcvt.f32.s32 v7;
	v12 =	vcvt.f32.s32 v13  }
0x91: {  	vm2 =	vgt.s32 v8, $0x0;
	vm3 =	vgt.s32 v9, $0x0;
	vm4 =	vgt.s32 v5, $0x0  }
0x92: {  	vm5 =	vgt.s32 v7, $0x0;
	v6 =	vnsel vm0, $0x0, v6;
	vm0 =	vgt.s32 v12, $0x0  }
0x93: {  	v10 =	vnsel vm1, $0x0, v10;
	v8 =	vnsel vm2, $0x0, v8;
	v13 =	vnsel vm3, $0x0, v9;
	[tilespmem:v11+s10+$0x0] =	vst.idx.add.f32.msk $0xffff, v2  }
0x94: {  	v5 =	vnsel vm4, $0x0, v5;
	v14 =	vnsel vm5, $0x0, v7;
	v12 =	vnsel vm0, $0x0, v12  }
0x95: {  	v10 =	vmin.u32 v10, $0x3FF;
	v9 =	vmin.u32 v8, $0x3FF;
	v11 =	vmin.u32 v6, $0x3FF  }
0x96: {  	v8 =	vmin.u32 v13, $0x3FF;
	v7 =	vmin.u32 v5, $0x3FF;
	v5 =	vmin.u32 v12, $0x3FF  }
.Ltmp2:
0x97: {  	v13 =	vand.u32 $0x3F, v10;
	v6 =	vmin.u32 v14, $0x3FF;
	v12 =	vand.u32 $0x3F, v11;
	(pc) =	sbr.rel @p0 .LBB2_7-.Ltmp2, $4  }
0x98: {  	v15 =	vand.u32 $0x3F, v8;
	v19 =	vand.u32 $0x3F, v7;
	v14 =	vand.u32 $0x3F, v9  }
0x99: {  	v20 =	vand.u32 $0x3F, v6;
	v16 =	vor.u32 v4, v12;
	v12 =	vand.u32 $0x3F, v5  }
0x9a: {  	v18 =	vor.u32 v4, v13;
	v17 =	vor.u32 v4, v14;
	v14 =	vor.u32 v4, v15  }
0x9b: {  	s16 =	sadd.s32 $0x80, s16;
	v15 =	vor.u32 v4, v19;
	v13 =	vor.u32 v4, v12;
	v12 =	vor.u32 v4, v20  }
0x9c: {  	v3 =	vshll.u32 v16, $0x4;
	v4 =	vshrl.u32 v11, $0x6  }
0x9d: {  	v58 =	vshll.u32 v18, $0x4;
	v10 =	vshrl.u32 v10, $0x6;
	v3 =	vor.u32 v4, v3  }
0x9e: {  	v59 =	vshll.u32 v17, $0x4;
	v9 =	vshrl.u32 v9, $0x6;
	v10 =	vor.u32 v10, v58  }
0x9f: {  	v60 =	vshll.u32 v14, $0x4;
	v8 =	vshrl.u32 v8, $0x6;
	v4 =	vor.u32 v9, v59  }
0xa0: {  	v61 =	vshll.u32 v15, $0x4;
	v7 =	vshrl.u32 v7, $0x6;
	v8 =	vor.u32 v8, v60  }
0xa1: {  	v62 =	vshll.u32 v13, $0x4;
	v5 =	vshrl.u32 v5, $0x6;
	v7 =	vor.u32 v7, v61  }
0xa2: {  	v63 =	vshll.u32 v12, $0x4;
	v6 =	vshrl.u32 v6, $0x6;
	s13 =	sadd.s32 $0x1, s13;
	v5 =	vor.u32 v5, v62;
	[tilespmem:v3+s10+$0x0] =	vst.idx.add.f32.msk $0xffff, v2  }
0xa3: {  	p0 =	sne.s32 s13, $0x20;
	v3 =	vor.u32 v6, v63;
	[tilespmem:v10+s10+$0x0] =	vst.idx.add.f32.msk $0xffff, v2  }
.Ltmp3:
0xa4: {  	[tilespmem:v4+s10+$0x0] =	vst.idx.add.f32.msk $0xffff, v2;
	(pc) =	sbr.rel @p0 .LBB2_6-.Ltmp3, $4  }
0xa5: {  	[tilespmem:v8+s10+$0x0] =	vst.idx.add.f32.msk $0xffff, v2  }
0xa6: {  	[tilespmem:v7+s10+$0x0] =	vst.idx.add.f32.msk $0xffff, v2  }
0xa7: {  	[tilespmem:v5+s10+$0x0] =	vst.idx.add.f32.msk $0xffff, v2  }
0xa8: {  	s14 =	sadd.s32 $0x400, s14;
	[tilespmem:v3+s10+$0x0] =	vst.idx.add.f32.msk $0xffff, v2  }
0xa9: {  	s13 =	simm.s32 $0x0;
	s14 =	simm.s32 $0x8060  }
.LBB2_10:
0xaa: {  	v3 =	vld [tilespmem:s14+$0xFFFFFFC0];
	_ =	sdelay $0x1  }
0xab: {  	v4 =	vld [tilespmem:s14+$0xFFFFFFD0];
	_ =	sdelay $0x1  }
0xac: {  	v5 =	vimm.f32 $0.0e+00;
	v6 =	vld [tilespmem:s14+$0xFFFFFFE0]  }
0xad: {  	v3 =	vadd.f32 v3, v5  }
0xae: {  	v5 =	vld [tilespmem:s14+$0xFFFFFFF0]  }
0xaf: {  	v3 =	vadd.f32 v4, v3  }
0xb0: {  	v4 =	vld [tilespmem:s14+$0x0]  }
0xb1: {  	v3 =	vadd.f32 v6, v3;
	_ =	sdelay $0x1  }
0xb2: {  	v6 =	vld [tilespmem:s14+$0x10];
	v3 =	vadd.f32 v5, v3;
	_ =	sdelay $0x1  }
0xb3: {  	v5 =	vadd.f32 v4, v3;
	v3 =	vld [tilespmem:s14+$0x20];
	_ =	sdelay $0x1  }
0xb4: {  	v4 =	vld [tilespmem:s14+$0x30]  }
0xb5: {  	s15 =	sshll.u32 s13, $0x6;
	s16 =	simm.s32 $0x0;
	s17 =	sadd.s32 $0x80, s14;
	v5 =	vadd.f32 v6, v5  }
.LBB2_11:
0xb6: {  	v6 =	vld [tilespmem:s17+$0xFFFFFFC0];
	s16 =	sadd.s32 $0x8, s16  }
0xb7: {  	p0 =	slt.u32 s16, $0x38;
	v3 =	vadd.f32 v3, v5  }
0xb8: {  	v5 =	vld [tilespmem:s17+$0xFFFFFFD0]  }
0xb9: {  	v3 =	vadd.f32 v4, v3  }
0xba: {  	v4 =	vld [tilespmem:s17+$0xFFFFFFE0]  }
0xbb: {  	v3 =	vadd.f32 v6, v3  }
0xbc: {  	v6 =	vld [tilespmem:s17+$0xFFFFFFF0]  }
0xbd: {  	v3 =	vadd.f32 v5, v3  }
0xbe: {  	v5 =	vld [tilespmem:s17+$0x0]  }
0xbf: {  	v3 =	vadd.f32 v4, v3  }
0xc0: {  	v7 =	vld [tilespmem:s17+$0x10]  }
.Ltmp4:
0xc1: {  	v4 =	vadd.f32 v6, v3;
	(pc) =	sbr.rel @p0 .LBB2_11-.Ltmp4, $4  }
0xc2: {  	v3 =	vld [tilespmem:s17+$0x20]  }
0xc3: {  	v5 =	vadd.f32 v5, v4  }
0xc4: {  	v4 =	vld [tilespmem:s17+$0x30]  }
0xc5: {  	s17 =	sadd.s32 $0x80, s17;
	v5 =	vadd.f32 v7, v5  }
0xc6: {  	_ = 	snop  }
0xc7: {  	v3 =	vadd.f32 v3, v5;
	_ =	sdelay $0x1  }
0xc8: {  	v3 =	vadd.f32 v4, v3;
	_ =	sdelay $0x1  }
0xc9: {  	(xrf2) =	vadd.scan.msk.f32 $0xffff, v3;
	_ =	sdelay $0x2  }
0xca: {  	v4 =	vld [tilespmem:s14+$0xFFFFFFC0];
	_ =	sdelay $0x1  }
0xcb: {  	v5 =	vld [tilespmem:s14+$0xFFFFFFD0];
	_ =	sdelay $0x1  }
0xcc: {  	v6 =	vimm.f32 $0.0e+00;
	v7 =	vld [tilespmem:s14+$0xFFFFFFE0]  }
0xcd: {  	v8 =	vadd.f32 v4, v6  }
0xce: {  	v9 =	vld [tilespmem:s14+$0xFFFFFFF0]  }
0xcf: {  	v11 =	vadd.f32 v5, v8;
	v10, _, _ =	vpop (xrf2)  }
0xd0: {  	v3 =	vsub.f32 v10, v3;
	v10 =	vld [tilespmem:s14+$0x0]  }
0xd1: {  	v12 =	vadd.f32 v7, v11  }
0xd2: {  	v14 =	vld [tilespmem:s14+$0x10];
	v13 =	vadd.f32 v6, v3;
	v8 =	vadd.f32 v8, v3  }
0xd3: {  	v16 =	vld [tilespmem:s14+$0x20];
	s18 =	simm.s32 $0x10060;
	v15 =	vadd.f32 v9, v12;
	v11 =	vadd.f32 v11, v3  }
0xd4: {  	v18 =	vld [tilespmem:s18+$0xFFFFFFC0];
	v13 =	vsub.f32 $1.020000000e+02, v13;
	v8 =	vsub.f32 $1.020000000e+02, v8  }
0xd5: {  	v19 =	vld [tilespmem:s18+$0xFFFFFFD0];
	v11 =	vsub.f32 $1.020000000e+02, v11;
	v17 =	vadd.f32 v10, v15  }
0xd6: {  	v21 =	vld [tilespmem:s18+$0xFFFFFFE0];
	v12 =	vadd.f32 v12, v3;
	v15 =	vadd.f32 v15, v3;
	v13 =	vmax.f32 v13, $0.0e+00  }
0xd7: {  	v8 =	vmax.f32 v8, $0.0e+00;
	v11 =	vmax.f32 v11, $0.0e+00;
	v20 =	vadd.f32 v14, v17  }
0xd8: {  	v22 =	vld [tilespmem:s14+$0x30];
	s17 =	sadd.s32 $0x80, s14;
	v4 =	vmin.f32 v13, v4;
	v13 =	vadd.f32 v17, v3;
	v15 =	vsub.f32 $1.020000000e+02, v15  }
0xd9: {  	v23 =	vld [tilespmem:s17+$0xFFFFFFC0];
	v5 =	vmin.f32 v8, v5;
	v7 =	vmin.f32 v11, v7;
	v17 =	vadd.f32 v16, v20  }
0xda: {  	v5 =	vmul.f32 v5, v19;
	v8 =	vsub.f32 $1.020000000e+02, v13;
	v13 =	vld [tilespmem:s18+$0x0];
	v20 =	vadd.f32 v20, v3  }
0xdb: {  	v18 =	vmul.f32 v18, v4;
	v4 =	vsub.f32 $1.020000000e+02, v12;
	v7 =	vmul.f32 v21, v7  }
0xdc: {  	v15 =	vmax.f32 v15, $0.0e+00;
	v27 =	vadd.f32 v5, v6;
	v19 =	vsub.f32 $1.020000000e+02, v20;
	v20 =	vld [tilespmem:s17+$0xFFFFFFD0]  }
0xdd: {  	v24 =	vld [tilespmem:s18+$0x20];
	v25 =	vmax.f32 v4, $0.0e+00;
	v12 =	vadd.f32 v17, v3;
	v5 =	vadd.f32 v22, v17  }
0xde: {  	v10 =	vmin.f32 v15, v10;
	v4 =	vld [tilespmem:s17+$0xFFFFFFE0];
	v6 =	vadd.f32 v18, v6;
	v11 =	vmin.f32 v25, v9  }
0xdf: {  	v26 =	vsub.f32 $1.020000000e+02, v12;
	v12 =	vld [tilespmem:s18+$0xFFFFFFF0];
	v10 =	vmul.f32 v13, v10;
	v13 =	vadd.f32 v23, v5  }
0xe0: {  	s16 =	simm.s32 $0x100E0;
	v7 =	vadd.f32 v7, v6;
	v9 =	vmax.f32 v19, $0.0e+00;
	v15 =	vadd.f32 v5, v3;
	v5 =	vld [tilespmem:s17+$0xFFFFFFF0]  }
0xe1: {  	v17 =	vld [tilespmem:s16+$0xFFFFFFC0];
	v9 =	vmin.f32 v9, v16;
	v16 =	vadd.f32 v13, v3;
	v13 =	vadd.f32 v20, v13  }
0xe2: {  	v19 =	vmax.f32 v8, $0.0e+00;
	v18 =	vmul.f32 v24, v9;
	v15 =	vsub.f32 $1.020000000e+02, v15;
	v9 =	vld [tilespmem:s17+$0x0]  }
0xe3: {  	v14 =	vmin.f32 v19, v14;
	v24 =	vld [tilespmem:s18+$0x10];
	v8 =	vsub.f32 $1.020000000e+02, v16;
	v16 =	vadd.f32 v4, v13  }
0xe4: {  	v6 =	vld [tilespmem:s17+$0x10];
	v7 =	vadd.f32 v10, v7;
	v21 =	vmul.f32 v11, v12;
	v11 =	vmax.f32 v15, $0.0e+00  }
0xe5: {  	v13 =	vadd.f32 v13, v3;
	v12 =	vmin.f32 v11, v23;
	v23 =	vadd.f32 v5, v16  }
0xe6: {  	v10 =	vld [tilespmem:s17+$0x20];
	v11 =	vadd.f32 v18, v7;
	v8 =	vmax.f32 v8, $0.0e+00;
	v16 =	vadd.f32 v16, v3  }
0xe7: {  	v25 =	vld [tilespmem:s18+$0x30];
	v12 =	vmul.f32 v17, v12;
	v17 =	vsub.f32 $1.020000000e+02, v13;
	v7 =	vadd.f32 v9, v23  }
0xe8: {  	v18 =	vld [tilespmem:s16+$0xFFFFFFD0];
	v27 =	vadd.f32 v21, v27;
	v24 =	vmul.f32 v14, v24;
	v13 =	vadd.f32 v23, v3  }
0xe9: {  	v15 =	vmin.f32 v8, v20;
	v8 =	vld [tilespmem:s16+$0xFFFFFFE0];
	v19 =	vadd.f32 v7, v3;
	v23 =	vadd.f32 v6, v7  }
0xea: {  	v24 =	vadd.f32 v24, v27;
	v7 =	vmax.f32 v26, $0.0e+00;
	v21 =	vsub.f32 $1.020000000e+02, v13;
	v13 =	vld [tilespmem:s16+$0x20]  }
0xeb: {  	v22 =	vmin.f32 v7, v22;
	v7 =	vld [tilespmem:s17+$0x30];
	v14 =	vsub.f32 $1.020000000e+02, v19;
	v20 =	vadd.f32 v10, v23  }
0xec: {  	s19 =	sadd.s32 $0x80, s17;
	s18 =	simm.s32 $0x4;
	s17 =	simm.s32 $0x100E0;
	v22 =	vmul.f32 v22, v25;
	v21 =	vmax.f32 v21, $0.0e+00;
	v19 =	vld [tilespmem:s16+$0x0];
	v23 =	vadd.f32 v23, v3  }
.LBB2_13:
0xed: {  	v25 =	vld [tilespmem:s19+$0xFFFFFFC0];
	s18 =	sadd.s32 $0x4, s18;
	v17 =	vmax.f32 v17, $0.0e+00;
	v16 =	vsub.f32 $1.020000000e+02, v16;
	v26 =	vadd.f32 v20, v3;
	s16 =	sadd.s32 $0x80, s16  }
0xee: {  	v27 =	vld [tilespmem:s16+$0xFFFFFFE0];
	p0 =	slt.u32 s18, $0x1C;
	v15 =	vmul.f32 v15, v18;
	v18 =	vsub.f32 $1.020000000e+02, v23;
	v22 =	vadd.f32 v22, v24  }
0xef: {  	v9 =	vmin.f32 v21, v9;
	v23 =	vld [tilespmem:s19+$0xFFFFFFD0];
	v16 =	vmax.f32 v16, $0.0e+00;
	v21 =	vsub.f32 $1.020000000e+02, v26  }
0xf0: {  	v22 =	vadd.f32 v15, v22;
	v15 =	vmin.f32 v17, v4;
	v17 =	vld [tilespmem:s17+$0xFFFFFFF0];
	v20 =	vadd.f32 v7, v20  }
0xf1: {  	v16 =	vmin.f32 v16, v5;
	v5 =	vmax.f32 v18, $0.0e+00;
	v4 =	vld [tilespmem:s19+$0xFFFFFFE0];
	v19 =	vmul.f32 v19, v9  }
0xf2: {  	v15 =	vmul.f32 v8, v15;
	v10 =	vmin.f32 v5, v10;
	v9 =	vadd.f32 v25, v20  }
0xf3: {  	v11 =	vadd.f32 v12, v11;
	v18 =	vadd.f32 v20, v3;
	v5 =	vld [tilespmem:s19+$0xFFFFFFF0];
	v8 =	vmov v27  }
0xf4: {  	v13 =	vmul.f32 v13, v10;
	v12 =	vadd.f32 v9, v3;
	v20 =	vld [tilespmem:s16+$0xFFFFFFC0];
	v24 =	vadd.f32 v23, v9  }
0xf5: {  	v14 =	vmax.f32 v14, $0.0e+00;
	v11 =	vadd.f32 v15, v11;
	v10 =	vsub.f32 $1.020000000e+02, v18;
	v9 =	vld [tilespmem:s19+$0x0]  }
0xf6: {  	v26 =	vmul.f32 v16, v17;
	v12 =	vsub.f32 $1.020000000e+02, v12;
	v18 =	vadd.f32 v4, v24;
	v27 =	vld [tilespmem:s17+$0x10]  }
0xf7: {  	v11 =	vadd.f32 v19, v11;
	v10 =	vmax.f32 v10, $0.0e+00;
	v17 =	vadd.f32 v24, v3;
	v24 =	vld [tilespmem:s19+$0x10]  }
0xf8: {  	v19 =	vmin.f32 v10, v25;
	v10 =	vmax.f32 v12, $0.0e+00;
	v25 =	vadd.f32 v5, v18;
	v28 =	vld [tilespmem:s17+$0x30];
	s17 =	smov.u32 s16  }
0xf9: {  	v11 =	vadd.f32 v13, v11;
	v16 =	vadd.f32 v18, v3;
	v15 =	vmin.f32 v10, v23;
	v10 =	vld [tilespmem:s19+$0x20]  }
0xfa: {  	v17 =	vsub.f32 $1.020000000e+02, v17;
	v12 =	vmul.f32 v20, v19;
	v13 =	vadd.f32 v9, v25  }
.Ltmp5:
0xfb: {  	v14 =	vmin.f32 v14, v6;
	v19 =	vadd.f32 v25, v3;
	v25 =	vadd.f32 v26, v22;
	(pc) =	sbr.rel @p0 .LBB2_13-.Ltmp5, $4  }
0xfc: {  	v21 =	vmax.f32 v21, $0.0e+00;
	v18 =	vld [tilespmem:s16+$0xFFFFFFD0];
	v20 =	vadd.f32 v13, v3;
	v23 =	vadd.f32 v24, v13;
	v6 =	vmovc v24  }
0xfd: {  	v21 =	vmin.f32 v21, v7;
	v19 =	vsub.f32 $1.020000000e+02, v19;
	v24 =	vmul.f32 v14, v27;
	v13 =	vld [tilespmem:s16+$0x20]  }
0xfe: {  	v22 =	vmul.f32 v21, v28;
	v14 =	vsub.f32 $1.020000000e+02, v20;
	v7 =	vld [tilespmem:s19+$0x30];
	v20 =	vadd.f32 v10, v23  }
0xff: {  	v21 =	vmax.f32 v19, $0.0e+00;
	v23 =	vadd.f32 v23, v3;
	s19 =	sadd.s32 $0x80, s19;
	v24 =	vadd.f32 v24, v25;
	v19 =	vld [tilespmem:s16+$0x0]  }
0x100: {  	v17 =	vmax.f32 v17, $0.0e+00;
	v16 =	vsub.f32 $1.020000000e+02, v16;
	v3 =	vadd.f32 v20, v3;
	v57 =	vld [tilespmem:s17+$0xFFFFFFF0]  }
0x101: {  	v9 =	vmin.f32 v21, v9;
	v60 =	vadd.f32 v12, v11;
	v14 =	vmax.f32 v14, $0.0e+00  }
0x102: {  	v59 =	vld [tilespmem:s17+$0x10];
	v15 =	vmul.f32 v15, v18;
	v58 =	vsub.f32 $1.020000000e+02, v23;
	v22 =	vadd.f32 v22, v24  }
0x103: {  	v4 =	vmin.f32 v17, v4;
	v6 =	vmin.f32 v14, v6;
	v16 =	vmax.f32 v16, $0.0e+00  }
0x104: {  	v61 =	vld [tilespmem:s17+$0x30];
	v3 =	vsub.f32 $1.020000000e+02, v3;
	v4 =	vmul.f32 v8, v4;
	v5 =	vmin.f32 v16, v5  }
0x105: {  	v15 =	vadd.f32 v15, v22;
	v62 =	vmax.f32 v58, $0.0e+00;
	v5 =	vmul.f32 v5, v57  }
0x106: {  	v9 =	vmul.f32 v19, v9;
	v10 =	vmin.f32 v62, v10;
	v4 =	vadd.f32 v4, v60  }
0x107: {  	v3 =	vmax.f32 v3, $0.0e+00;
	v6 =	vmul.f32 v6, v59;
	v5 =	vadd.f32 v5, v15  }
0x108: {  	v63 =	vmul.f32 v13, v10;
	v3 =	vmin.f32 v3, v7  }
0x109: {  	s13 =	sadd.s32 $0x1, s13;
	v4 =	vadd.f32 v9, v4;
	v3 =	vmul.f32 v3, v61;
	v5 =	vadd.f32 v6, v5  }
0x10a: {  	p0 =	sne.s32 s13, $0x20  }
.Ltmp6:
0x10b: {  	v4 =	vadd.f32 v63, v4;
	v3 =	vadd.f32 v3, v5;
	(pc) =	sbr.rel @p0 .LBB2_10-.Ltmp6, $4  }
0x10c: {  	_ = 	snop  }
0x10d: {  	v3 =	vadd.f32 v3, v4  }
0x10e: {  	s15 =	sshrl.u32 s15, $0x2  }
0x10f: {  	s14 =	sadd.s32 $0x400, s14;
	[tilespmem:s15+$0x10420] =	vst v3  }
0x110: {  	s12 =	sadd.s32 $0x1, s12  }
0x111: {  	p0 =	sne.s32 s12, s6  }
.Ltmp7:
0x112: {  	_ = 	snop;
	(pc) =	sbr.rel @p0 .LBB2_1-.Ltmp7, $4  }
0x113: {  	[hbm4b:s5+s2] =	stream.linear.scatter [tilespmem:s11], [sflag:$0x2], $0x200, $0x38;
	[tilespmem:$0x10620] =	vst v63  }
0x114: {  	_ =	swait.ge [sflag:s8], $0x200  }
0x115: {  	[sflag:s8] =	ssyncset.done $0x0  }
0x116: {  	[sflag:s8] =	ssyncadd.s32 $0xFFFFFE00  }
0x117: {  	_ =	sfence.sel $0x180000  }
0x118: {  	[bflag:$0x0] =	sbarrier.arrive $0xFFFF  }
0x119: {  	p0 =	sne.s32 s1, $0x0;
	_ =	strace $0x90000047  }
0x11a: {  	s0 =	sadd.s32 @!p0 $0x100000, s0;
	[bflag:$0x2] =	sbarrier.arrive $0xFFFF  }
0x11b: {  	[sflag:s0] =	ssyncadd.tile.s32 @!p0 $0x1;
	_ =	shalt  }
.Lfunc_end2:
_tile_overlayer_lowered:
.L_overlay_start_2:
0x11c: {  	(tag) =	ssettag $0x2  }
0x11d: {  	s0 =	rddreg [dreg:$0x0];
	s2 =	stileid.u32  }
0x11e: {  	s1 =	rddreg [dreg:$0x1];
	p0 =	sne.s32 s2, $0x0  }
0x11f: {  	s3 =	rddreg [dreg:$0x2];
	[bflag:$0x3] =	sbarrier.arrive $0xFFFF;
	s2 =	simm.s32 @!p0 $0x1C02  }
0x120: {  	[timem:s3], [sflag:s2] =	dma.local @!p0 [hbm:s0], s1  }
0x121: {  	s0 =	simm.s32 @!p0 $0x2  }
0x122: {  	_ =	swait.ge @!p0 [sflag:s0], s1  }
0x123: {  	s1 =	ssub.s32 @!p0 $0x0, s1;
	[sflag:s0] =	ssyncset.done @!p0 $0x0  }
0x124: {  	[sflag:s0] =	ssyncadd.s32 @!p0 s1  }
0x125: {  	[bflag:$0x3] =	sbarrier.arrive $0xFFFF  }
0x126: {  	_ =	shalt  }

</sc_bundles>
